<compile_context>
chip_gen: v7x
topology: tpu7x:2x2x1
jax: 0.10.2.dev20260603
libtpu: 0.0.44.dev20260713+nightly
codegen_flags: <defaults>
</compile_context>

<pallas_src>
import functools

import jax
import jax.numpy as jnp
from jax import lax
from jax.experimental import pallas as pl
from jax.experimental.pallas import tpu as pltpu
from jax.experimental.pallas import tpu_sc as plsc

N_ROWS = 320000
D_FEAT = 128
N_SEG = 10000

NC = 2
NS = 16
NW = NC * NS
ROWS_PER_TILE = N_ROWS // NW
CHUNK = 96
NSLOT = 4
NMAIN = 104
NTRI = NMAIN // NSLOT
TAIL = ROWS_PER_TILE - NMAIN * CHUNK
ZROWS = 624
ZROWS_LAST = N_SEG - (NS - 1) * ZROWS
ZBLK = 96
LANES = 16

_mesh = plsc.VectorSubcoreMesh(core_axis_name="c", subcore_axis_name="s")


@functools.partial(
    pl.kernel,
    mesh=_mesh,
    out_type=jax.ShapeDtypeStruct((NC, N_SEG, D_FEAT), jnp.float32),
    scratch_types=[
        pltpu.VMEM((CHUNK,), jnp.int32),
        pltpu.VMEM((CHUNK,), jnp.int32),
        pltpu.VMEM((CHUNK,), jnp.int32),
        pltpu.VMEM((CHUNK,), jnp.int32),
        pltpu.VMEM((TAIL,), jnp.int32),
        pltpu.VMEM((NSLOT * CHUNK, D_FEAT), jnp.float32),
        pltpu.VMEM_SHARED((N_SEG, D_FEAT), jnp.float32),
        pltpu.SemaphoreType.DMA,
        pltpu.SemaphoreType.DMA,
        pltpu.SemaphoreType.DMA,
        pltpu.SemaphoreType.DMA,
    ],
)
def _segment_sum_sc(data_hbm, seg_hbm, out_hbm,
                    i0, i1, i2, i3, ids_t, ring, acc, l0, l1, l2, l3):
    c = lax.axis_index("c")
    s = lax.axis_index("s")
    wid = c * NS + s
    base0 = wid * ROWS_PER_TILE
    idbufs = (i0, i1, i2, i3)
    lsems = (l0, l1, l2, l3)

    def slot(k):
        return ring.at[pl.ds(k * CHUNK, CHUNK)]

    def load(j, k):
        pltpu.async_copy(data_hbm.at[pl.ds(base0 + j * CHUNK, CHUNK)],
                         slot(k), lsems[k])
        pltpu.async_copy(seg_hbm.at[pl.ds(base0 + j * CHUNK, CHUNK)],
                         idbufs[k], lsems[k])

    def wait_load(j, k):
        pltpu.make_async_copy(data_hbm.at[pl.ds(base0 + j * CHUNK, CHUNK)],
                              slot(k), lsems[k]).wait()
        pltpu.make_async_copy(seg_hbm.at[pl.ds(base0 + j * CHUNK, CHUNK)],
                              idbufs[k], lsems[k]).wait()

    pltpu.sync_copy(seg_hbm.at[pl.ds(base0 + NMAIN * CHUNK, TAIL)], ids_t)
    load(0, 0)
    load(1, 1)
    load(2, 2)

    zv = jnp.zeros((LANES,), jnp.float32)
    zbase = NSLOT * CHUNK - ZBLK

    def zrow(r, carry):
        for g in range(D_FEAT // LANES):
            ring[zbase + r, pl.ds(g * LANES, LANES)] = zv
        return carry

    lax.fori_loop(0, ZBLK, zrow, 0)
    zsrc = ring.at[pl.ds(zbase, ZBLK)]
    zrem = ZROWS - (ZROWS // ZBLK) * ZBLK
    zsrc_r = ring.at[pl.ds(zbase, zrem)]
    rbase = (ZROWS // ZBLK) * ZBLK
    for z in range(ZROWS // ZBLK):
        pltpu.async_copy(zsrc, acc.at[pl.ds(s * ZROWS + z * ZBLK, ZBLK)], l3)
    pltpu.async_copy(zsrc_r, acc.at[pl.ds(s * ZROWS + rbase, zrem)], l3)

    @pl.when(s == NS - 1)
    def _():
        pltpu.sync_copy(ring.at[pl.ds(zbase, ZROWS_LAST - ZROWS)],
                        acc.at[pl.ds(N_SEG - (ZROWS_LAST - ZROWS),
                                     ZROWS_LAST - ZROWS)])

    for z in range(ZROWS // ZBLK):
        pltpu.make_async_copy(
            zsrc, acc.at[pl.ds(s * ZROWS + z * ZBLK, ZBLK)], l3).wait()
    pltpu.make_async_copy(
        zsrc_r, acc.at[pl.ds(s * ZROWS + rbase, zrem)], l3).wait()
    plsc.subcore_barrier()

    def body(t, carry):
        c0 = NSLOT * t
        for k in range(NSLOT):
            ch = c0 + k
            k2 = (k + 3) % NSLOT
            wait_load(ch, k)
            if k == 0:
                load(ch + 3, k2)
            else:
                @pl.when(t < NTRI - 1)
                def _():
                    load(ch + 3, k2)
            pltpu.sync_copy(slot(k), acc.at[idbufs[k]], add=True)
        return carry

    lax.fori_loop(0, NTRI, body, 0)

    pltpu.sync_copy(data_hbm.at[pl.ds(base0 + NMAIN * CHUNK, TAIL)],
                    ring.at[pl.ds(0, TAIL)])
    pltpu.sync_copy(ring.at[pl.ds(0, TAIL)], acc.at[ids_t], add=True)

    plsc.subcore_barrier()

    @pl.when(s < NS - 1)
    def _():
        pltpu.sync_copy(acc.at[pl.ds(s * ZROWS, ZROWS)],
                        out_hbm.at[c, pl.ds(s * ZROWS, ZROWS)])

    @pl.when(s == NS - 1)
    def _():
        pltpu.sync_copy(acc.at[pl.ds((NS - 1) * ZROWS, ZROWS_LAST)],
                        out_hbm.at[c, pl.ds((NS - 1) * ZROWS, ZROWS_LAST)])


def _combine_body(p_ref, o_ref):
    o_ref[...] = p_ref[0] + p_ref[1]


def _combine(partials):
    nblk = 2
    rows = N_SEG // nblk
    return pl.pallas_call(
        _combine_body,
        out_shape=jax.ShapeDtypeStruct((N_SEG, D_FEAT), jnp.float32),
        grid=(nblk,),
        in_specs=[pl.BlockSpec((NC, rows, D_FEAT), lambda i: (0, i, 0))],
        out_specs=pl.BlockSpec((rows, D_FEAT), lambda i: (i, 0)),
    )(partials)


def kernel(data, segment_ids):
    seg = segment_ids.astype(jnp.int32)
    partials = _segment_sum_sc(data, seg)
    return _combine(partials)

# --- scband reference (transcript-rebuilt; emitter-appended) ---
"""Pipeline reference for scband-accumulator-49263274885347 (READ-ONLY COPY).

The authoritative reference and input builder live on the scoring server;
editing this copy changes nothing except your own understanding.
"""

import jax, jax.numpy as jnp
import numpy as np

N_ROWS = 320000
D_FEAT = 128
N_SEGMENTS = 10000


def setup_inputs(seed: int = 0) -> dict:
    key = jax.random.key(seed)
    k1, k2 = jax.random.split(key)
    data = jax.random.normal(k1, (N_ROWS, D_FEAT), dtype=jnp.float32)
    segment_ids = jnp.sort(jax.random.randint(k2, (N_ROWS,), 0, N_SEGMENTS)).astype(jnp.int64)
    return {"data": data, "segment_ids": segment_ids}


def reference(data, segment_ids):
    # Faithful translation of Accumulator.forward with a single-key features
    # dict {'data': data}. The torch module computes n_structures = max(idx)+1,
    # allocates zeros of shape [n_structures, d], then index_add_ along dim 0.
    num_segments = N_SEGMENTS
    out_shape = (num_segments,) + tuple(data.shape[1:])
    result = jnp.zeros(out_shape, dtype=jnp.float32)
    result = result.at[segment_ids].add(data)
    return result

if __name__ == "__main__":
    import jax
    _d = setup_inputs()
    print(jax.jit(kernel)(*tuple(_d.values())))

</pallas_src>

<mosaic_0001>
#map = affine_map<(d0, d1) -> (0, 0)>
#map1 = affine_map<(d0, d1) -> (0)>
#map2 = affine_map<(d0, d1) -> (0, 0, 0)>
module attributes {stable_mosaic.version = 14 : i64} {
  func.func @_segment_sum_sc(%arg0: i32, %arg1: i32, %arg2: memref<320000x128xf32, #tpu.memory_space<hbm>>, %arg3: memref<320000xi32, #tpu.memory_space<hbm>>, %arg4: memref<2x10000x128xf32, #tpu.memory_space<hbm>>, %arg5: memref<96xi32, #tpu.memory_space<vmem>>, %arg6: memref<96xi32, #tpu.memory_space<vmem>>, %arg7: memref<96xi32, #tpu.memory_space<vmem>>, %arg8: memref<96xi32, #tpu.memory_space<vmem>>, %arg9: memref<16xi32, #tpu.memory_space<vmem>>, %arg10: memref<384x128xf32, #tpu.memory_space<vmem>>, %arg11: memref<10000x128xf32, #tpu.memory_space<vmem_shared>>, %arg12: memref<!tpu.dma_semaphore, #tpu.memory_space<semaphore_mem>>, %arg13: memref<!tpu.dma_semaphore, #tpu.memory_space<semaphore_mem>>, %arg14: memref<!tpu.dma_semaphore, #tpu.memory_space<semaphore_mem>>, %arg15: memref<!tpu.dma_semaphore, #tpu.memory_space<semaphore_mem>>) attributes {dimension_semantics = [#tpu.dimension_semantics<core_parallel>, #tpu.dimension_semantics<subcore_parallel>], iteration_bounds = array<i64: 2, 16>, scalar_prefetch = 0 : i64, scratch_operands = 11 : i64, tpu.core_type = #tpu.core_type<sc_vector_subcore>, window_params = [{transform_indices = #map}, {transform_indices = #map1}, {transform_indices = #map2}]} {
    %mul3A = arith.constant 16 : i32
    %mul3A_0 = arith.muli %arg0, %mul3A : i32
    %add3A = arith.addi %mul3A_0, %arg1 : i32
    %mul3A_1 = arith.constant 10000 : i32
    %mul3A_2 = arith.muli %add3A, %mul3A_1 : i32
    %add3A_3 = arith.constant 9984 : i32
    %add3A_4 = arith.addi %mul3A_2, %add3A_3 : i32
    "tpu.region"() ({
      %run_scoped3A = tpu.sem_alloc : memref<!tpu.dma_semaphore, #tpu.memory_space<semaphore_mem>>
      %dma_start3A_273 = tpu.memref_slice %arg3[%add3A_4] : memref<320000xi32, #tpu.memory_space<hbm>> -> memref<16xi32, #tpu.memory_space<hbm>>
      %dma_start3A_274 = tpu.memref_slice %arg3[%add3A_4] : memref<320000xi32, #tpu.memory_space<hbm>> -> memref<16xi32, #tpu.memory_space<hbm>>
      tpu.enqueue_dma source(%dma_start3A_274 : memref<16xi32, #tpu.memory_space<hbm>>) target(%arg9 : memref<16xi32, #tpu.memory_space<vmem>>) target_semaphore(%run_scoped3A : memref<!tpu.dma_semaphore, #tpu.memory_space<semaphore_mem>>)
      %dma_wait3A_275 = tpu.memref_slice %arg3[%add3A_4] : memref<320000xi32, #tpu.memory_space<hbm>> -> memref<16xi32, #tpu.memory_space<hbm>>
      %dma_wait3A_276 = tpu.memref_slice %arg3[%add3A_4] : memref<320000xi32, #tpu.memory_space<hbm>> -> memref<16xi32, #tpu.memory_space<hbm>>
      tpu.wait_dma2 semaphore(%run_scoped3A : memref<!tpu.dma_semaphore, #tpu.memory_space<semaphore_mem>>) src(%dma_wait3A_276 : memref<16xi32, #tpu.memory_space<hbm>>) dst(%arg9 : memref<16xi32, #tpu.memory_space<vmem>>)
      tpu.yield
    }) : () -> ()
    %add3A_5 = arith.constant 0 : i32
    %add3A_6 = arith.addi %mul3A_2, %add3A_5 : i32
    %dma_start3A = arith.constant 0 : i32
    %dma_start3A_7 = arith.constant 0 : i32
    %dma_start3A_8 = tpu.memref_slice %arg10[%dma_start3A, %dma_start3A_7] : memref<384x128xf32, #tpu.memory_space<vmem>> -> memref<96x128xf32, #tpu.memory_space<vmem>>
    %dma_start3A_9 = arith.constant 0 : i32
    %dma_start3A_10 = tpu.memref_slice %arg2[%add3A_6, %dma_start3A_9] : memref<320000x128xf32, #tpu.memory_space<hbm>> -> memref<96x128xf32, #tpu.memory_space<hbm>>
    %dma_start3A_11 = arith.constant 0 : i32
    %dma_start3A_12 = arith.constant 0 : i32
    %dma_start3A_13 = tpu.memref_slice %arg10[%dma_start3A_11, %dma_start3A_12] : memref<384x128xf32, #tpu.memory_space<vmem>> -> memref<96x128xf32, #tpu.memory_space<vmem>>
    %dma_start3A_14 = arith.constant 0 : i32
    %dma_start3A_15 = tpu.memref_slice %arg2[%add3A_6, %dma_start3A_14] : memref<320000x128xf32, #tpu.memory_space<hbm>> -> memref<96x128xf32, #tpu.memory_space<hbm>>
    tpu.enqueue_dma source(%dma_start3A_15 : memref<96x128xf32, #tpu.memory_space<hbm>>) target(%dma_start3A_13 : memref<96x128xf32, #tpu.memory_space<vmem>>) target_semaphore(%arg12 : memref<!tpu.dma_semaphore, #tpu.memory_space<semaphore_mem>>)
    %add3A_16 = arith.constant 0 : i32
    %add3A_17 = arith.addi %mul3A_2, %add3A_16 : i32
    %dma_start3A_18 = tpu.memref_slice %arg3[%add3A_17] : memref<320000xi32, #tpu.memory_space<hbm>> -> memref<96xi32, #tpu.memory_space<hbm>>
    %dma_start3A_19 = tpu.memref_slice %arg3[%add3A_17] : memref<320000xi32, #tpu.memory_space<hbm>> -> memref<96xi32, #tpu.memory_space<hbm>>
    tpu.enqueue_dma source(%dma_start3A_19 : memref<96xi32, #tpu.memory_space<hbm>>) target(%arg5 : memref<96xi32, #tpu.memory_space<vmem>>) target_semaphore(%arg12 : memref<!tpu.dma_semaphore, #tpu.memory_space<semaphore_mem>>)
    %add3A_20 = arith.constant 96 : i32
    %add3A_21 = arith.addi %mul3A_2, %add3A_20 : i32
    %dma_start3A_22 = arith.constant 96 : i32
    %dma_start3A_23 = arith.constant 0 : i32
    %dma_start3A_24 = tpu.memref_slice %arg10[%dma_start3A_22, %dma_start3A_23] : memref<384x128xf32, #tpu.memory_space<vmem>> -> memref<96x128xf32, #tpu.memory_space<vmem>>
    %dma_start3A_25 = arith.constant 0 : i32
    %dma_start3A_26 = tpu.memref_slice %arg2[%add3A_21, %dma_start3A_25] : memref<320000x128xf32, #tpu.memory_space<hbm>> -> memref<96x128xf32, #tpu.memory_space<hbm>>
    %dma_start3A_27 = arith.constant 96 : i32
    %dma_start3A_28 = arith.constant 0 : i32
    %dma_start3A_29 = tpu.memref_slice %arg10[%dma_start3A_27, %dma_start3A_28] : memref<384x128xf32, #tpu.memory_space<vmem>> -> memref<96x128xf32, #tpu.memory_space<vmem>>
    %dma_start3A_30 = arith.constant 0 : i32
    %dma_start3A_31 = tpu.memref_slice %arg2[%add3A_21, %dma_start3A_30] : memref<320000x128xf32, #tpu.memory_space<hbm>> -> memref<96x128xf32, #tpu.memory_space<hbm>>
    tpu.enqueue_dma source(%dma_start3A_31 : memref<96x128xf32, #tpu.memory_space<hbm>>) target(%dma_start3A_29 : memref<96x128xf32, #tpu.memory_space<vmem>>) target_semaphore(%arg13 : memref<!tpu.dma_semaphore, #tpu.memory_space<semaphore_mem>>)
    %add3A_32 = arith.constant 96 : i32
    %add3A_33 = arith.addi %mul3A_2, %add3A_32 : i32
    %dma_start3A_34 = tpu.memref_slice %arg3[%add3A_33] : memref<320000xi32, #tpu.memory_space<hbm>> -> memref<96xi32, #tpu.memory_space<hbm>>
    %dma_start3A_35 = tpu.memref_slice %arg3[%add3A_33] : memref<320000xi32, #tpu.memory_space<hbm>> -> memref<96xi32, #tpu.memory_space<hbm>>
    tpu.enqueue_dma source(%dma_start3A_35 : memref<96xi32, #tpu.memory_space<hbm>>) target(%arg6 : memref<96xi32, #tpu.memory_space<vmem>>) target_semaphore(%arg13 : memref<!tpu.dma_semaphore, #tpu.memory_space<semaphore_mem>>)
    %add3A_36 = arith.constant 192 : i32
    %add3A_37 = arith.addi %mul3A_2, %add3A_36 : i32
    %dma_start3A_38 = arith.constant 192 : i32
    %dma_start3A_39 = arith.constant 0 : i32
    %dma_start3A_40 = tpu.memref_slice %arg10[%dma_start3A_38, %dma_start3A_39] : memref<384x128xf32, #tpu.memory_space<vmem>> -> memref<96x128xf32, #tpu.memory_space<vmem>>
    %dma_start3A_41 = arith.constant 0 : i32
    %dma_start3A_42 = tpu.memref_slice %arg2[%add3A_37, %dma_start3A_41] : memref<320000x128xf32, #tpu.memory_space<hbm>> -> memref<96x128xf32, #tpu.memory_space<hbm>>
    %dma_start3A_43 = arith.constant 192 : i32
    %dma_start3A_44 = arith.constant 0 : i32
    %dma_start3A_45 = tpu.memref_slice %arg10[%dma_start3A_43, %dma_start3A_44] : memref<384x128xf32, #tpu.memory_space<vmem>> -> memref<96x128xf32, #tpu.memory_space<vmem>>
    %dma_start3A_46 = arith.constant 0 : i32
    %dma_start3A_47 = tpu.memref_slice %arg2[%add3A_37, %dma_start3A_46] : memref<320000x128xf32, #tpu.memory_space<hbm>> -> memref<96x128xf32, #tpu.memory_space<hbm>>
    tpu.enqueue_dma source(%dma_start3A_47 : memref<96x128xf32, #tpu.memory_space<hbm>>) target(%dma_start3A_45 : memref<96x128xf32, #tpu.memory_space<vmem>>) target_semaphore(%arg14 : memref<!tpu.dma_semaphore, #tpu.memory_space<semaphore_mem>>)
    %add3A_48 = arith.constant 192 : i32
    %add3A_49 = arith.addi %mul3A_2, %add3A_48 : i32
    %dma_start3A_50 = tpu.memref_slice %arg3[%add3A_49] : memref<320000xi32, #tpu.memory_space<hbm>> -> memref<96xi32, #tpu.memory_space<hbm>>
    %dma_start3A_51 = tpu.memref_slice %arg3[%add3A_49] : memref<320000xi32, #tpu.memory_space<hbm>> -> memref<96xi32, #tpu.memory_space<hbm>>
    tpu.enqueue_dma source(%dma_start3A_51 : memref<96xi32, #tpu.memory_space<hbm>>) target(%arg7 : memref<96xi32, #tpu.memory_space<vmem>>) target_semaphore(%arg14 : memref<!tpu.dma_semaphore, #tpu.memory_space<semaphore_mem>>)
    %broadcast_in_dim3A = arith.constant 0.000000e+00 : f32
    %broadcast_in_dim3A_52 = vector.broadcast %broadcast_in_dim3A : f32 to vector<16xf32>
    %scan3A = arith.constant 0 : i32
    %scan3A_53 = arith.constant 0 : i32
    %scan3A_54 = arith.constant 96 : i32
    %scan3A_55 = arith.addi %scan3A_53, %scan3A_54 : i32
    %scan3A_56 = arith.constant 1 : i32
    scf.for %scan3A_273 = %scan3A_53 to %scan3A_55 step %scan3A_56  : i32 {
      %add3A_274 = arith.constant 288 : i32
      %add3A_275 = arith.addi %add3A_274, %scan3A_273 : i32
      %swap3A = arith.index_cast %add3A_275 : i32 to index
      %swap3A_276 = arith.constant 0 : index
      %swap3A_277 = tpu.vector_load %arg10[%swap3A, %swap3A_276] {strides = array<i32>} : memref<384x128xf32, #tpu.memory_space<vmem>>, vector<1x16xf32>,
      %swap3A_278 = vector.shape_cast %swap3A_277 : vector<1x16xf32> to vector<16xf32>
      %swap3A_279 = vector.shape_cast %broadcast_in_dim3A_52 : vector<16xf32> to vector<1x16xf32>
      tpu.vector_store %arg10[%swap3A, %swap3A_276], %swap3A_279 {strides = array<i32>} : memref<384x128xf32, #tpu.memory_space<vmem>>, vector<1x16xf32>,
      %add3A_280 = arith.constant 288 : i32
      %add3A_281 = arith.addi %add3A_280, %scan3A_273 : i32
      %swap3A_282 = arith.index_cast %add3A_281 : i32 to index
      %swap3A_283 = arith.constant 16 : index
      %swap3A_284 = tpu.vector_load %arg10[%swap3A_282, %swap3A_283] {strides = array<i32>} : memref<384x128xf32, #tpu.memory_space<vmem>>, vector<1x16xf32>,
      %swap3A_285 = vector.shape_cast %swap3A_284 : vector<1x16xf32> to vector<16xf32>
      %swap3A_286 = vector.shape_cast %broadcast_in_dim3A_52 : vector<16xf32> to vector<1x16xf32>
      tpu.vector_store %arg10[%swap3A_282, %swap3A_283], %swap3A_286 {strides = array<i32>} : memref<384x128xf32, #tpu.memory_space<vmem>>, vector<1x16xf32>,
      %add3A_287 = arith.constant 288 : i32
      %add3A_288 = arith.addi %add3A_287, %scan3A_273 : i32
      %swap3A_289 = arith.index_cast %add3A_288 : i32 to index
      %swap3A_290 = arith.constant 32 : index
      %swap3A_291 = tpu.vector_load %arg10[%swap3A_289, %swap3A_290] {strides = array<i32>} : memref<384x128xf32, #tpu.memory_space<vmem>>, vector<1x16xf32>,
      %swap3A_292 = vector.shape_cast %swap3A_291 : vector<1x16xf32> to vector<16xf32>
      %swap3A_293 = vector.shape_cast %broadcast_in_dim3A_52 : vector<16xf32> to vector<1x16xf32>
      tpu.vector_store %arg10[%swap3A_289, %swap3A_290], %swap3A_293 {strides = array<i32>} : memref<384x128xf32, #tpu.memory_space<vmem>>, vector<1x16xf32>,
      %add3A_294 = arith.constant 288 : i32
      %add3A_295 = arith.addi %add3A_294, %scan3A_273 : i32
      %swap3A_296 = arith.index_cast %add3A_295 : i32 to index
      %swap3A_297 = arith.constant 48 : index
      %swap3A_298 = tpu.vector_load %arg10[%swap3A_296, %swap3A_297] {strides = array<i32>} : memref<384x128xf32, #tpu.memory_space<vmem>>, vector<1x16xf32>,
      %swap3A_299 = vector.shape_cast %swap3A_298 : vector<1x16xf32> to vector<16xf32>
      %swap3A_300 = vector.shape_cast %broadcast_in_dim3A_52 : vector<16xf32> to vector<1x16xf32>
      tpu.vector_store %arg10[%swap3A_296, %swap3A_297], %swap3A_300 {strides = array<i32>} : memref<384x128xf32, #tpu.memory_space<vmem>>, vector<1x16xf32>,
      %add3A_301 = arith.constant 288 : i32
      %add3A_302 = arith.addi %add3A_301, %scan3A_273 : i32
      %swap3A_303 = arith.index_cast %add3A_302 : i32 to index
      %swap3A_304 = arith.constant 64 : index
      %swap3A_305 = tpu.vector_load %arg10[%swap3A_303, %swap3A_304] {strides = array<i32>} : memref<384x128xf32, #tpu.memory_space<vmem>>, vector<1x16xf32>,
      %swap3A_306 = vector.shape_cast %swap3A_305 : vector<1x16xf32> to vector<16xf32>
      %swap3A_307 = vector.shape_cast %broadcast_in_dim3A_52 : vector<16xf32> to vector<1x16xf32>
      tpu.vector_store %arg10[%swap3A_303, %swap3A_304], %swap3A_307 {strides = array<i32>} : memref<384x128xf32, #tpu.memory_space<vmem>>, vector<1x16xf32>,
      %add3A_308 = arith.constant 288 : i32
      %add3A_309 = arith.addi %add3A_308, %scan3A_273 : i32
      %swap3A_310 = arith.index_cast %add3A_309 : i32 to index
      %swap3A_311 = arith.constant 80 : index
      %swap3A_312 = tpu.vector_load %arg10[%swap3A_310, %swap3A_311] {strides = array<i32>} : memref<384x128xf32, #tpu.memory_space<vmem>>, vector<1x16xf32>,
      %swap3A_313 = vector.shape_cast %swap3A_312 : vector<1x16xf32> to vector<16xf32>
      %swap3A_314 = vector.shape_cast %broadcast_in_dim3A_52 : vector<16xf32> to vector<1x16xf32>
      tpu.vector_store %arg10[%swap3A_310, %swap3A_311], %swap3A_314 {strides = array<i32>} : memref<384x128xf32, #tpu.memory_space<vmem>>, vector<1x16xf32>,
      %add3A_315 = arith.constant 288 : i32
      %add3A_316 = arith.addi %add3A_315, %scan3A_273 : i32
      %swap3A_317 = arith.index_cast %add3A_316 : i32 to index
      %swap3A_318 = arith.constant 96 : index
      %swap3A_319 = tpu.vector_load %arg10[%swap3A_317, %swap3A_318] {strides = array<i32>} : memref<384x128xf32, #tpu.memory_space<vmem>>, vector<1x16xf32>,
      %swap3A_320 = vector.shape_cast %swap3A_319 : vector<1x16xf32> to vector<16xf32>
      %swap3A_321 = vector.shape_cast %broadcast_in_dim3A_52 : vector<16xf32> to vector<1x16xf32>
      tpu.vector_store %arg10[%swap3A_317, %swap3A_318], %swap3A_321 {strides = array<i32>} : memref<384x128xf32, #tpu.memory_space<vmem>>, vector<1x16xf32>,
      %add3A_322 = arith.constant 288 : i32
      %add3A_323 = arith.addi %add3A_322, %scan3A_273 : i32
      %swap3A_324 = arith.index_cast %add3A_323 : i32 to index
      %swap3A_325 = arith.constant 112 : index
      %swap3A_326 = tpu.vector_load %arg10[%swap3A_324, %swap3A_325] {strides = array<i32>} : memref<384x128xf32, #tpu.memory_space<vmem>>, vector<1x16xf32>,
      %swap3A_327 = vector.shape_cast %swap3A_326 : vector<1x16xf32> to vector<16xf32>
      %swap3A_328 = vector.shape_cast %broadcast_in_dim3A_52 : vector<16xf32> to vector<1x16xf32>
      tpu.vector_store %arg10[%swap3A_324, %swap3A_325], %swap3A_328 {strides = array<i32>} : memref<384x128xf32, #tpu.memory_space<vmem>>, vector<1x16xf32>,
    }
    %scan3A_57 = arith.constant 96 : i32
    %mul3A_58 = arith.constant 624 : i32
    %mul3A_59 = arith.muli %arg1, %mul3A_58 : i32
    %add3A_60 = arith.constant 0 : i32
    %add3A_61 = arith.addi %mul3A_59, %add3A_60 : i32
    %dma_start3A_62 = arith.constant 288 : i32
    %dma_start3A_63 = arith.constant 0 : i32
    %dma_start3A_64 = tpu.memref_slice %arg10[%dma_start3A_62, %dma_start3A_63] : memref<384x128xf32, #tpu.memory_space<vmem>> -> memref<96x128xf32, #tpu.memory_space<vmem>>
    %dma_start3A_65 = arith.constant 0 : i32
    %dma_start3A_66 = tpu.memref_slice %arg11[%add3A_61, %dma_start3A_65] : memref<10000x128xf32, #tpu.memory_space<vmem_shared>> -> memref<96x128xf32, #tpu.memory_space<vmem_shared>>
    %dma_start3A_67 = arith.constant 0 : i32
    %dma_start3A_68 = tpu.memref_slice %arg11[%add3A_61, %dma_start3A_67] : memref<10000x128xf32, #tpu.memory_space<vmem_shared>> -> memref<96x128xf32, #tpu.memory_space<vmem_shared>>
    %dma_start3A_69 = arith.constant 288 : i32
    %dma_start3A_70 = arith.constant 0 : i32
    %dma_start3A_71 = tpu.memref_slice %arg10[%dma_start3A_69, %dma_start3A_70] : memref<384x128xf32, #tpu.memory_space<vmem>> -> memref<96x128xf32, #tpu.memory_space<vmem>>
    tpu.enqueue_dma source(%dma_start3A_71 : memref<96x128xf32, #tpu.memory_space<vmem>>) target(%dma_start3A_68 : memref<96x128xf32, #tpu.memory_space<vmem_shared>>) target_semaphore(%arg15 : memref<!tpu.dma_semaphore, #tpu.memory_space<semaphore_mem>>)
    %mul3A_72 = arith.constant 624 : i32
    %mul3A_73 = arith.muli %arg1, %mul3A_72 : i32
    %add3A_74 = arith.constant 96 : i32
    %add3A_75 = arith.addi %mul3A_73, %add3A_74 : i32
    %dma_start3A_76 = arith.constant 288 : i32
    %dma_start3A_77 = arith.constant 0 : i32
    %dma_start3A_78 = tpu.memref_slice %arg10[%dma_start3A_76, %dma_start3A_77] : memref<384x128xf32, #tpu.memory_space<vmem>> -> memref<96x128xf32, #tpu.memory_space<vmem>>
    %dma_start3A_79 = arith.constant 0 : i32
    %dma_start3A_80 = tpu.memref_slice %arg11[%add3A_75, %dma_start3A_79] : memref<10000x128xf32, #tpu.memory_space<vmem_shared>> -> memref<96x128xf32, #tpu.memory_space<vmem_shared>>
    %dma_start3A_81 = arith.constant 0 : i32
    %dma_start3A_82 = tpu.memref_slice %arg11[%add3A_75, %dma_start3A_81] : memref<10000x128xf32, #tpu.memory_space<vmem_shared>> -> memref<96x128xf32, #tpu.memory_space<vmem_shared>>
    %dma_start3A_83 = arith.constant 288 : i32
    %dma_start3A_84 = arith.constant 0 : i32
    %dma_start3A_85 = tpu.memref_slice %arg10[%dma_start3A_83, %dma_start3A_84] : memref<384x128xf32, #tpu.memory_space<vmem>> -> memref<96x128xf32, #tpu.memory_space<vmem>>
    tpu.enqueue_dma source(%dma_start3A_85 : memref<96x128xf32, #tpu.memory_space<vmem>>) target(%dma_start3A_82 : memref<96x128xf32, #tpu.memory_space<vmem_shared>>) target_semaphore(%arg15 : memref<!tpu.dma_semaphore, #tpu.memory_space<semaphore_mem>>)
    %mul3A_86 = arith.constant 624 : i32
    %mul3A_87 = arith.muli %arg1, %mul3A_86 : i32
    %add3A_88 = arith.constant 192 : i32
    %add3A_89 = arith.addi %mul3A_87, %add3A_88 : i32
    %dma_start3A_90 = arith.constant 288 : i32
    %dma_start3A_91 = arith.constant 0 : i32
    %dma_start3A_92 = tpu.memref_slice %arg10[%dma_start3A_90, %dma_start3A_91] : memref<384x128xf32, #tpu.memory_space<vmem>> -> memref<96x128xf32, #tpu.memory_space<vmem>>
    %dma_start3A_93 = arith.constant 0 : i32
    %dma_start3A_94 = tpu.memref_slice %arg11[%add3A_89, %dma_start3A_93] : memref<10000x128xf32, #tpu.memory_space<vmem_shared>> -> memref<96x128xf32, #tpu.memory_space<vmem_shared>>
    %dma_start3A_95 = arith.constant 0 : i32
    %dma_start3A_96 = tpu.memref_slice %arg11[%add3A_89, %dma_start3A_95] : memref<10000x128xf32, #tpu.memory_space<vmem_shared>> -> memref<96x128xf32, #tpu.memory_space<vmem_shared>>
    %dma_start3A_97 = arith.constant 288 : i32
    %dma_start3A_98 = arith.constant 0 : i32
    %dma_start3A_99 = tpu.memref_slice %arg10[%dma_start3A_97, %dma_start3A_98] : memref<384x128xf32, #tpu.memory_space<vmem>> -> memref<96x128xf32, #tpu.memory_space<vmem>>
    tpu.enqueue_dma source(%dma_start3A_99 : memref<96x128xf32, #tpu.memory_space<vmem>>) target(%dma_start3A_96 : memref<96x128xf32, #tpu.memory_space<vmem_shared>>) target_semaphore(%arg15 : memref<!tpu.dma_semaphore, #tpu.memory_space<semaphore_mem>>)
    %mul3A_100 = arith.constant 624 : i32
    %mul3A_101 = arith.muli %arg1, %mul3A_100 : i32
    %add3A_102 = arith.constant 288 : i32
    %add3A_103 = arith.addi %mul3A_101, %add3A_102 : i32
    %dma_start3A_104 = arith.constant 288 : i32
    %dma_start3A_105 = arith.constant 0 : i32
    %dma_start3A_106 = tpu.memref_slice %arg10[%dma_start3A_104, %dma_start3A_105] : memref<384x128xf32, #tpu.memory_space<vmem>> -> memref<96x128xf32, #tpu.memory_space<vmem>>
    %dma_start3A_107 = arith.constant 0 : i32
    %dma_start3A_108 = tpu.memref_slice %arg11[%add3A_103, %dma_start3A_107] : memref<10000x128xf32, #tpu.memory_space<vmem_shared>> -> memref<96x128xf32, #tpu.memory_space<vmem_shared>>
    %dma_start3A_109 = arith.constant 0 : i32
    %dma_start3A_110 = tpu.memref_slice %arg11[%add3A_103, %dma_start3A_109] : memref<10000x128xf32, #tpu.memory_space<vmem_shared>> -> memref<96x128xf32, #tpu.memory_space<vmem_shared>>
    %dma_start3A_111 = arith.constant 288 : i32
    %dma_start3A_112 = arith.constant 0 : i32
    %dma_start3A_113 = tpu.memref_slice %arg10[%dma_start3A_111, %dma_start3A_112] : memref<384x128xf32, #tpu.memory_space<vmem>> -> memref<96x128xf32, #tpu.memory_space<vmem>>
    tpu.enqueue_dma source(%dma_start3A_113 : memref<96x128xf32, #tpu.memory_space<vmem>>) target(%dma_start3A_110 : memref<96x128xf32, #tpu.memory_space<vmem_shared>>) target_semaphore(%arg15 : memref<!tpu.dma_semaphore, #tpu.memory_space<semaphore_mem>>)
    %mul3A_114 = arith.constant 624 : i32
    %mul3A_115 = arith.muli %arg1, %mul3A_114 : i32
    %add3A_116 = arith.constant 384 : i32
    %add3A_117 = arith.addi %mul3A_115, %add3A_116 : i32
    %dma_start3A_118 = arith.constant 288 : i32
    %dma_start3A_119 = arith.constant 0 : i32
    %dma_start3A_120 = tpu.memref_slice %arg10[%dma_start3A_118, %dma_start3A_119] : memref<384x128xf32, #tpu.memory_space<vmem>> -> memref<96x128xf32, #tpu.memory_space<vmem>>
    %dma_start3A_121 = arith.constant 0 : i32
    %dma_start3A_122 = tpu.memref_slice %arg11[%add3A_117, %dma_start3A_121] : memref<10000x128xf32, #tpu.memory_space<vmem_shared>> -> memref<96x128xf32, #tpu.memory_space<vmem_shared>>
    %dma_start3A_123 = arith.constant 0 : i32
    %dma_start3A_124 = tpu.memref_slice %arg11[%add3A_117, %dma_start3A_123] : memref<10000x128xf32, #tpu.memory_space<vmem_shared>> -> memref<96x128xf32, #tpu.memory_space<vmem_shared>>
    %dma_start3A_125 = arith.constant 288 : i32
    %dma_start3A_126 = arith.constant 0 : i32
    %dma_start3A_127 = tpu.memref_slice %arg10[%dma_start3A_125, %dma_start3A_126] : memref<384x128xf32, #tpu.memory_space<vmem>> -> memref<96x128xf32, #tpu.memory_space<vmem>>
    tpu.enqueue_dma source(%dma_start3A_127 : memref<96x128xf32, #tpu.memory_space<vmem>>) target(%dma_start3A_124 : memref<96x128xf32, #tpu.memory_space<vmem_shared>>) target_semaphore(%arg15 : memref<!tpu.dma_semaphore, #tpu.memory_space<semaphore_mem>>)
    %mul3A_128 = arith.constant 624 : i32
    %mul3A_129 = arith.muli %arg1, %mul3A_128 : i32
    %add3A_130 = arith.constant 480 : i32
    %add3A_131 = arith.addi %mul3A_129, %add3A_130 : i32
    %dma_start3A_132 = arith.constant 288 : i32
    %dma_start3A_133 = arith.constant 0 : i32
    %dma_start3A_134 = tpu.memref_slice %arg10[%dma_start3A_132, %dma_start3A_133] : memref<384x128xf32, #tpu.memory_space<vmem>> -> memref<96x128xf32, #tpu.memory_space<vmem>>
    %dma_start3A_135 = arith.constant 0 : i32
    %dma_start3A_136 = tpu.memref_slice %arg11[%add3A_131, %dma_start3A_135] : memref<10000x128xf32, #tpu.memory_space<vmem_shared>> -> memref<96x128xf32, #tpu.memory_space<vmem_shared>>
    %dma_start3A_137 = arith.constant 0 : i32
    %dma_start3A_138 = tpu.memref_slice %arg11[%add3A_131, %dma_start3A_137] : memref<10000x128xf32, #tpu.memory_space<vmem_shared>> -> memref<96x128xf32, #tpu.memory_space<vmem_shared>>
    %dma_start3A_139 = arith.constant 288 : i32
    %dma_start3A_140 = arith.constant 0 : i32
    %dma_start3A_141 = tpu.memref_slice %arg10[%dma_start3A_139, %dma_start3A_140] : memref<384x128xf32, #tpu.memory_space<vmem>> -> memref<96x128xf32, #tpu.memory_space<vmem>>
    tpu.enqueue_dma source(%dma_start3A_141 : memref<96x128xf32, #tpu.memory_space<vmem>>) target(%dma_start3A_138 : memref<96x128xf32, #tpu.memory_space<vmem_shared>>) target_semaphore(%arg15 : memref<!tpu.dma_semaphore, #tpu.memory_space<semaphore_mem>>)
    %mul3A_142 = arith.constant 624 : i32
    %mul3A_143 = arith.muli %arg1, %mul3A_142 : i32
    %add3A_144 = arith.constant 576 : i32
    %add3A_145 = arith.addi %mul3A_143, %add3A_144 : i32
    %dma_start3A_146 = arith.constant 288 : i32
    %dma_start3A_147 = arith.constant 0 : i32
    %dma_start3A_148 = tpu.memref_slice %arg10[%dma_start3A_146, %dma_start3A_147] : memref<384x128xf32, #tpu.memory_space<vmem>> -> memref<48x128xf32, #tpu.memory_space<vmem>>
    %dma_start3A_149 = arith.constant 0 : i32
    %dma_start3A_150 = tpu.memref_slice %arg11[%add3A_145, %dma_start3A_149] : memref<10000x128xf32, #tpu.memory_space<vmem_shared>> -> memref<48x128xf32, #tpu.memory_space<vmem_shared>>
    %dma_start3A_151 = arith.constant 0 : i32
    %dma_start3A_152 = tpu.memref_slice %arg11[%add3A_145, %dma_start3A_151] : memref<10000x128xf32, #tpu.memory_space<vmem_shared>> -> memref<48x128xf32, #tpu.memory_space<vmem_shared>>
    %dma_start3A_153 = arith.constant 288 : i32
    %dma_start3A_154 = arith.constant 0 : i32
    %dma_start3A_155 = tpu.memref_slice %arg10[%dma_start3A_153, %dma_start3A_154] : memref<384x128xf32, #tpu.memory_space<vmem>> -> memref<48x128xf32, #tpu.memory_space<vmem>>
    tpu.enqueue_dma source(%dma_start3A_155 : memref<48x128xf32, #tpu.memory_space<vmem>>) target(%dma_start3A_152 : memref<48x128xf32, #tpu.memory_space<vmem_shared>>) target_semaphore(%arg15 : memref<!tpu.dma_semaphore, #tpu.memory_space<semaphore_mem>>)
    %eq3A = arith.constant 15 : i32
    %eq3A_156 = arith.cmpi eq, %arg1, %eq3A : i32
    %convert_element_type3A = arith.extui %eq3A_156 : i1 to i32
    %cond3A = arith.constant 0 : i32
    %cond3A_157 = arith.cmpi ne, %convert_element_type3A, %cond3A : i32
    scf.if %cond3A_157 {
      "tpu.region"() ({
        %run_scoped3A = tpu.sem_alloc : memref<!tpu.dma_semaphore, #tpu.memory_space<semaphore_mem>>
        %dma_start3A_273 = arith.constant 288 : i32
        %dma_start3A_274 = arith.constant 0 : i32
        %dma_start3A_275 = tpu.memref_slice %arg10[%dma_start3A_273, %dma_start3A_274] : memref<384x128xf32, #tpu.memory_space<vmem>> -> memref<16x128xf32, #tpu.memory_space<vmem>>
        %dma_start3A_276 = arith.constant 9984 : i32
        %dma_start3A_277 = arith.constant 0 : i32
        %dma_start3A_278 = tpu.memref_slice %arg11[%dma_start3A_276, %dma_start3A_277] : memref<10000x128xf32, #tpu.memory_space<vmem_shared>> -> memref<16x128xf32, #tpu.memory_space<vmem_shared>>
        %dma_start3A_279 = arith.constant 9984 : i32
        %dma_start3A_280 = arith.constant 0 : i32
        %dma_start3A_281 = tpu.memref_slice %arg11[%dma_start3A_279, %dma_start3A_280] : memref<10000x128xf32, #tpu.memory_space<vmem_shared>> -> memref<16x128xf32, #tpu.memory_space<vmem_shared>>
        %dma_start3A_282 = arith.constant 288 : i32
        %dma_start3A_283 = arith.constant 0 : i32
        %dma_start3A_284 = tpu.memref_slice %arg10[%dma_start3A_282, %dma_start3A_283] : memref<384x128xf32, #tpu.memory_space<vmem>> -> memref<16x128xf32, #tpu.memory_space<vmem>>
        tpu.enqueue_dma source(%dma_start3A_284 : memref<16x128xf32, #tpu.memory_space<vmem>>) target(%dma_start3A_281 : memref<16x128xf32, #tpu.memory_space<vmem_shared>>) target_semaphore(%run_scoped3A : memref<!tpu.dma_semaphore, #tpu.memory_space<semaphore_mem>>)
        %dma_wait3A_285 = arith.constant 288 : i32
        %dma_wait3A_286 = arith.constant 0 : i32
        %dma_wait3A_287 = tpu.memref_slice %arg10[%dma_wait3A_285, %dma_wait3A_286] : memref<384x128xf32, #tpu.memory_space<vmem>> -> memref<16x128xf32, #tpu.memory_space<vmem>>
        %dma_wait3A_288 = arith.constant 9984 : i32
        %dma_wait3A_289 = arith.constant 0 : i32
        %dma_wait3A_290 = tpu.memref_slice %arg11[%dma_wait3A_288, %dma_wait3A_289] : memref<10000x128xf32, #tpu.memory_space<vmem_shared>> -> memref<16x128xf32, #tpu.memory_space<vmem_shared>>
        %dma_wait3A_291 = arith.constant 9984 : i32
        %dma_wait3A_292 = arith.constant 0 : i32
        %dma_wait3A_293 = tpu.memref_slice %arg11[%dma_wait3A_291, %dma_wait3A_292] : memref<10000x128xf32, #tpu.memory_space<vmem_shared>> -> memref<16x128xf32, #tpu.memory_space<vmem_shared>>
        %dma_wait3A_294 = arith.constant 288 : i32
        %dma_wait3A_295 = arith.constant 0 : i32
        %dma_wait3A_296 = tpu.memref_slice %arg10[%dma_wait3A_294, %dma_wait3A_295] : memref<384x128xf32, #tpu.memory_space<vmem>> -> memref<16x128xf32, #tpu.memory_space<vmem>>
        tpu.wait_dma2 semaphore(%run_scoped3A : memref<!tpu.dma_semaphore, #tpu.memory_space<semaphore_mem>>) src(%dma_wait3A_296 : memref<16x128xf32, #tpu.memory_space<vmem>>) dst(%dma_wait3A_293 : memref<16x128xf32, #tpu.memory_space<vmem_shared>>)
        tpu.yield
      }) : () -> ()
    } else {
    }
    %mul3A_158 = arith.constant 624 : i32
    %mul3A_159 = arith.muli %arg1, %mul3A_158 : i32
    %add3A_160 = arith.constant 0 : i32
    %add3A_161 = arith.addi %mul3A_159, %add3A_160 : i32
    %dma_wait3A = arith.constant 288 : i32
    %dma_wait3A_162 = arith.constant 0 : i32
    %dma_wait3A_163 = tpu.memref_slice %arg10[%dma_wait3A, %dma_wait3A_162] : memref<384x128xf32, #tpu.memory_space<vmem>> -> memref<96x128xf32, #tpu.memory_space<vmem>>
    %dma_wait3A_164 = arith.constant 0 : i32
    %dma_wait3A_165 = tpu.memref_slice %arg11[%add3A_161, %dma_wait3A_164] : memref<10000x128xf32, #tpu.memory_space<vmem_shared>> -> memref<96x128xf32, #tpu.memory_space<vmem_shared>>
    %dma_wait3A_166 = arith.constant 0 : i32
    %dma_wait3A_167 = tpu.memref_slice %arg11[%add3A_161, %dma_wait3A_166] : memref<10000x128xf32, #tpu.memory_space<vmem_shared>> -> memref<96x128xf32, #tpu.memory_space<vmem_shared>>
    %dma_wait3A_168 = arith.constant 288 : i32
    %dma_wait3A_169 = arith.constant 0 : i32
    %dma_wait3A_170 = tpu.memref_slice %arg10[%dma_wait3A_168, %dma_wait3A_169] : memref<384x128xf32, #tpu.memory_space<vmem>> -> memref<96x128xf32, #tpu.memory_space<vmem>>
    tpu.wait_dma2 semaphore(%arg15 : memref<!tpu.dma_semaphore, #tpu.memory_space<semaphore_mem>>) src(%dma_wait3A_170 : memref<96x128xf32, #tpu.memory_space<vmem>>) dst(%dma_wait3A_167 : memref<96x128xf32, #tpu.memory_space<vmem_shared>>)
    %mul3A_171 = arith.constant 624 : i32
    %mul3A_172 = arith.muli %arg1, %mul3A_171 : i32
    %add3A_173 = arith.constant 96 : i32
    %add3A_174 = arith.addi %mul3A_172, %add3A_173 : i32
    %dma_wait3A_175 = arith.constant 288 : i32
    %dma_wait3A_176 = arith.constant 0 : i32
    %dma_wait3A_177 = tpu.memref_slice %arg10[%dma_wait3A_175, %dma_wait3A_176] : memref<384x128xf32, #tpu.memory_space<vmem>> -> memref<96x128xf32, #tpu.memory_space<vmem>>
    %dma_wait3A_178 = arith.constant 0 : i32
    %dma_wait3A_179 = tpu.memref_slice %arg11[%add3A_174, %dma_wait3A_178] : memref<10000x128xf32, #tpu.memory_space<vmem_shared>> -> memref<96x128xf32, #tpu.memory_space<vmem_shared>>
    %dma_wait3A_180 = arith.constant 0 : i32
    %dma_wait3A_181 = tpu.memref_slice %arg11[%add3A_174, %dma_wait3A_180] : memref<10000x128xf32, #tpu.memory_space<vmem_shared>> -> memref<96x128xf32, #tpu.memory_space<vmem_shared>>
    %dma_wait3A_182 = arith.constant 288 : i32
    %dma_wait3A_183 = arith.constant 0 : i32
    %dma_wait3A_184 = tpu.memref_slice %arg10[%dma_wait3A_182, %dma_wait3A_183] : memref<384x128xf32, #tpu.memory_space<vmem>> -> memref<96x128xf32, #tpu.memory_space<vmem>>
    tpu.wait_dma2 semaphore(%arg15 : memref<!tpu.dma_semaphore, #tpu.memory_space<semaphore_mem>>) src(%dma_wait3A_184 : memref<96x128xf32, #tpu.memory_space<vmem>>) dst(%dma_wait3A_181 : memref<96x128xf32, #tpu.memory_space<vmem_shared>>)
    %mul3A_185 = arith.constant 624 : i32
    %mul3A_186 = arith.muli %arg1, %mul3A_185 : i32
    %add3A_187 = arith.constant 192 : i32
    %add3A_188 = arith.addi %mul3A_186, %add3A_187 : i32
    %dma_wait3A_189 = arith.constant 288 : i32
    %dma_wait3A_190 = arith.constant 0 : i32
    %dma_wait3A_191 = tpu.memref_slice %arg10[%dma_wait3A_189, %dma_wait3A_190] : memref<384x128xf32, #tpu.memory_space<vmem>> -> memref<96x128xf32, #tpu.memory_space<vmem>>
    %dma_wait3A_192 = arith.constant 0 : i32
    %dma_wait3A_193 = tpu.memref_slice %arg11[%add3A_188, %dma_wait3A_192] : memref<10000x128xf32, #tpu.memory_space<vmem_shared>> -> memref<96x128xf32, #tpu.memory_space<vmem_shared>>
    %dma_wait3A_194 = arith.constant 0 : i32
    %dma_wait3A_195 = tpu.memref_slice %arg11[%add3A_188, %dma_wait3A_194] : memref<10000x128xf32, #tpu.memory_space<vmem_shared>> -> memref<96x128xf32, #tpu.memory_space<vmem_shared>>
    %dma_wait3A_196 = arith.constant 288 : i32
    %dma_wait3A_197 = arith.constant 0 : i32
    %dma_wait3A_198 = tpu.memref_slice %arg10[%dma_wait3A_196, %dma_wait3A_197] : memref<384x128xf32, #tpu.memory_space<vmem>> -> memref<96x128xf32, #tpu.memory_space<vmem>>
    tpu.wait_dma2 semaphore(%arg15 : memref<!tpu.dma_semaphore, #tpu.memory_space<semaphore_mem>>) src(%dma_wait3A_198 : memref<96x128xf32, #tpu.memory_space<vmem>>) dst(%dma_wait3A_195 : memref<96x128xf32, #tpu.memory_space<vmem_shared>>)
    %mul3A_199 = arith.constant 624 : i32
    %mul3A_200 = arith.muli %arg1, %mul3A_199 : i32
    %add3A_201 = arith.constant 288 : i32
    %add3A_202 = arith.addi %mul3A_200, %add3A_201 : i32
    %dma_wait3A_203 = arith.constant 288 : i32
    %dma_wait3A_204 = arith.constant 0 : i32
    %dma_wait3A_205 = tpu.memref_slice %arg10[%dma_wait3A_203, %dma_wait3A_204] : memref<384x128xf32, #tpu.memory_space<vmem>> -> memref<96x128xf32, #tpu.memory_space<vmem>>
    %dma_wait3A_206 = arith.constant 0 : i32
    %dma_wait3A_207 = tpu.memref_slice %arg11[%add3A_202, %dma_wait3A_206] : memref<10000x128xf32, #tpu.memory_space<vmem_shared>> -> memref<96x128xf32, #tpu.memory_space<vmem_shared>>
    %dma_wait3A_208 = arith.constant 0 : i32
    %dma_wait3A_209 = tpu.memref_slice %arg11[%add3A_202, %dma_wait3A_208] : memref<10000x128xf32, #tpu.memory_space<vmem_shared>> -> memref<96x128xf32, #tpu.memory_space<vmem_shared>>
    %dma_wait3A_210 = arith.constant 288 : i32
    %dma_wait3A_211 = arith.constant 0 : i32
    %dma_wait3A_212 = tpu.memref_slice %arg10[%dma_wait3A_210, %dma_wait3A_211] : memref<384x128xf32, #tpu.memory_space<vmem>> -> memref<96x128xf32, #tpu.memory_space<vmem>>
    tpu.wait_dma2 semaphore(%arg15 : memref<!tpu.dma_semaphore, #tpu.memory_space<semaphore_mem>>) src(%dma_wait3A_212 : memref<96x128xf32, #tpu.memory_space<vmem>>) dst(%dma_wait3A_209 : memref<96x128xf32, #tpu.memory_space<vmem_shared>>)
    %mul3A_213 = arith.constant 624 : i32
    %mul3A_214 = arith.muli %arg1, %mul3A_213 : i32
    %add3A_215 = arith.constant 384 : i32
    %add3A_216 = arith.addi %mul3A_214, %add3A_215 : i32
    %dma_wait3A_217 = arith.constant 288 : i32
    %dma_wait3A_218 = arith.constant 0 : i32
    %dma_wait3A_219 = tpu.memref_slice %arg10[%dma_wait3A_217, %dma_wait3A_218] : memref<384x128xf32, #tpu.memory_space<vmem>> -> memref<96x128xf32, #tpu.memory_space<vmem>>
    %dma_wait3A_220 = arith.constant 0 : i32
    %dma_wait3A_221 = tpu.memref_slice %arg11[%add3A_216, %dma_wait3A_220] : memref<10000x128xf32, #tpu.memory_space<vmem_shared>> -> memref<96x128xf32, #tpu.memory_space<vmem_shared>>
    %dma_wait3A_222 = arith.constant 0 : i32
    %dma_wait3A_223 = tpu.memref_slice %arg11[%add3A_216, %dma_wait3A_222] : memref<10000x128xf32, #tpu.memory_space<vmem_shared>> -> memref<96x128xf32, #tpu.memory_space<vmem_shared>>
    %dma_wait3A_224 = arith.constant 288 : i32
    %dma_wait3A_225 = arith.constant 0 : i32
    %dma_wait3A_226 = tpu.memref_slice %arg10[%dma_wait3A_224, %dma_wait3A_225] : memref<384x128xf32, #tpu.memory_space<vmem>> -> memref<96x128xf32, #tpu.memory_space<vmem>>
    tpu.wait_dma2 semaphore(%arg15 : memref<!tpu.dma_semaphore, #tpu.memory_space<semaphore_mem>>) src(%dma_wait3A_226 : memref<96x128xf32, #tpu.memory_space<vmem>>) dst(%dma_wait3A_223 : memref<96x128xf32, #tpu.memory_space<vmem_shared>>)
    %mul3A_227 = arith.constant 624 : i32
    %mul3A_228 = arith.muli %arg1, %mul3A_227 : i32
    %add3A_229 = arith.constant 480 : i32
    %add3A_230 = arith.addi %mul3A_228, %add3A_229 : i32
    %dma_wait3A_231 = arith.constant 288 : i32
    %dma_wait3A_232 = arith.constant 0 : i32
    %dma_wait3A_233 = tpu.memref_slice %arg10[%dma_wait3A_231, %dma_wait3A_232] : memref<384x128xf32, #tpu.memory_space<vmem>> -> memref<96x128xf32, #tpu.memory_space<vmem>>
    %dma_wait3A_234 = arith.constant 0 : i32
    %dma_wait3A_235 = tpu.memref_slice %arg11[%add3A_230, %dma_wait3A_234] : memref<10000x128xf32, #tpu.memory_space<vmem_shared>> -> memref<96x128xf32, #tpu.memory_space<vmem_shared>>
    %dma_wait3A_236 = arith.constant 0 : i32
    %dma_wait3A_237 = tpu.memref_slice %arg11[%add3A_230, %dma_wait3A_236] : memref<10000x128xf32, #tpu.memory_space<vmem_shared>> -> memref<96x128xf32, #tpu.memory_space<vmem_shared>>
    %dma_wait3A_238 = arith.constant 288 : i32
    %dma_wait3A_239 = arith.constant 0 : i32
    %dma_wait3A_240 = tpu.memref_slice %arg10[%dma_wait3A_238, %dma_wait3A_239] : memref<384x128xf32, #tpu.memory_space<vmem>> -> memref<96x128xf32, #tpu.memory_space<vmem>>
    tpu.wait_dma2 semaphore(%arg15 : memref<!tpu.dma_semaphore, #tpu.memory_space<semaphore_mem>>) src(%dma_wait3A_240 : memref<96x128xf32, #tpu.memory_space<vmem>>) dst(%dma_wait3A_237 : memref<96x128xf32, #tpu.memory_space<vmem_shared>>)
    %mul3A_241 = arith.constant 624 : i32
    %mul3A_242 = arith.muli %arg1, %mul3A_241 : i32
    %add3A_243 = arith.constant 576 : i32
    %add3A_244 = arith.addi %mul3A_242, %add3A_243 : i32
    %dma_wait3A_245 = arith.constant 288 : i32
    %dma_wait3A_246 = arith.constant 0 : i32
    %dma_wait3A_247 = tpu.memref_slice %arg10[%dma_wait3A_245, %dma_wait3A_246] : memref<384x128xf32, #tpu.memory_space<vmem>> -> memref<48x128xf32, #tpu.memory_space<vmem>>
    %dma_wait3A_248 = arith.constant 0 : i32
    %dma_wait3A_249 = tpu.memref_slice %arg11[%add3A_244, %dma_wait3A_248] : memref<10000x128xf32, #tpu.memory_space<vmem_shared>> -> memref<48x128xf32, #tpu.memory_space<vmem_shared>>
    %dma_wait3A_250 = arith.constant 0 : i32
    %dma_wait3A_251 = tpu.memref_slice %arg11[%add3A_244, %dma_wait3A_250] : memref<10000x128xf32, #tpu.memory_space<vmem_shared>> -> memref<48x128xf32, #tpu.memory_space<vmem_shared>>
    %dma_wait3A_252 = arith.constant 288 : i32
    %dma_wait3A_253 = arith.constant 0 : i32
    %dma_wait3A_254 = tpu.memref_slice %arg10[%dma_wait3A_252, %dma_wait3A_253] : memref<384x128xf32, #tpu.memory_space<vmem>> -> memref<48x128xf32, #tpu.memory_space<vmem>>
    tpu.wait_dma2 semaphore(%arg15 : memref<!tpu.dma_semaphore, #tpu.memory_space<semaphore_mem>>) src(%dma_wait3A_254 : memref<48x128xf32, #tpu.memory_space<vmem>>) dst(%dma_wait3A_251 : memref<48x128xf32, #tpu.memory_space<vmem_shared>>)
    %barrier3A = arith.constant 0 : index
    tpu.barrier barrier_id(%barrier3A)
    %scan3A_255 = arith.constant 0 : i32
    %scan3A_256 = arith.constant 0 : i32
    %scan3A_257 = arith.constant 26 : i32
    %scan3A_258 = arith.addi %scan3A_256, %scan3A_257 : i32
    %scan3A_259 = arith.constant 1 : i32
    scf.for %scan3A_273 = %scan3A_256 to %scan3A_258 step %scan3A_259  : i32 {
      %mul3A_274 = arith.constant 4 : i32
      %mul3A_275 = arith.muli %mul3A_274, %scan3A_273 : i32
      %add3A_276 = arith.constant 0 : i32
      %add3A_277 = arith.addi %mul3A_275, %add3A_276 : i32
      %mul3A_278 = arith.constant 96 : i32
      %mul3A_279 = arith.muli %add3A_277, %mul3A_278 : i32
      %add3A_280 = arith.addi %mul3A_2, %mul3A_279 : i32
      %dma_wait3A_281 = arith.constant 0 : i32
      %dma_wait3A_282 = arith.constant 0 : i32
      %dma_wait3A_283 = tpu.memref_slice %arg10[%dma_wait3A_281, %dma_wait3A_282] : memref<384x128xf32, #tpu.memory_space<vmem>> -> memref<96x128xf32, #tpu.memory_space<vmem>>
      %dma_wait3A_284 = arith.constant 0 : i32
      %dma_wait3A_285 = tpu.memref_slice %arg2[%add3A_280, %dma_wait3A_284] : memref<320000x128xf32, #tpu.memory_space<hbm>> -> memref<96x128xf32, #tpu.memory_space<hbm>>
      %dma_wait3A_286 = arith.constant 0 : i32
      %dma_wait3A_287 = arith.constant 0 : i32
      %dma_wait3A_288 = tpu.memref_slice %arg10[%dma_wait3A_286, %dma_wait3A_287] : memref<384x128xf32, #tpu.memory_space<vmem>> -> memref<96x128xf32, #tpu.memory_space<vmem>>
      %dma_wait3A_289 = arith.constant 0 : i32
      %dma_wait3A_290 = tpu.memref_slice %arg2[%add3A_280, %dma_wait3A_289] : memref<320000x128xf32, #tpu.memory_space<hbm>> -> memref<96x128xf32, #tpu.memory_space<hbm>>
      tpu.wait_dma2 semaphore(%arg12 : memref<!tpu.dma_semaphore, #tpu.memory_space<semaphore_mem>>) src(%dma_wait3A_290 : memref<96x128xf32, #tpu.memory_space<hbm>>) dst(%dma_wait3A_288 : memref<96x128xf32, #tpu.memory_space<vmem>>)
      %mul3A_291 = arith.constant 96 : i32
      %mul3A_292 = arith.muli %add3A_277, %mul3A_291 : i32
      %add3A_293 = arith.addi %mul3A_2, %mul3A_292 : i32
      %dma_wait3A_294 = tpu.memref_slice %arg3[%add3A_293] : memref<320000xi32, #tpu.memory_space<hbm>> -> memref<96xi32, #tpu.memory_space<hbm>>
      %dma_wait3A_295 = tpu.memref_slice %arg3[%add3A_293] : memref<320000xi32, #tpu.memory_space<hbm>> -> memref<96xi32, #tpu.memory_space<hbm>>
      tpu.wait_dma2 semaphore(%arg12 : memref<!tpu.dma_semaphore, #tpu.memory_space<semaphore_mem>>) src(%dma_wait3A_295 : memref<96xi32, #tpu.memory_space<hbm>>) dst(%arg5 : memref<96xi32, #tpu.memory_space<vmem>>)
      %add3A_296 = arith.constant 3 : i32
      %add3A_297 = arith.addi %add3A_277, %add3A_296 : i32
      %mul3A_298 = arith.constant 96 : i32
      %mul3A_299 = arith.muli %add3A_297, %mul3A_298 : i32
      %add3A_300 = arith.addi %mul3A_2, %mul3A_299 : i32
      %dma_start3A_301 = arith.constant 288 : i32
      %dma_start3A_302 = arith.constant 0 : i32
      %dma_start3A_303 = tpu.memref_slice %arg10[%dma_start3A_301, %dma_start3A_302] : memref<384x128xf32, #tpu.memory_space<vmem>> -> memref<96x128xf32, #tpu.memory_space<vmem>>
      %dma_start3A_304 = arith.constant 0 : i32
      %dma_start3A_305 = tpu.memref_slice %arg2[%add3A_300, %dma_start3A_304] : memref<320000x128xf32, #tpu.memory_space<hbm>> -> memref<96x128xf32, #tpu.memory_space<hbm>>
      %dma_start3A_306 = arith.constant 288 : i32
      %dma_start3A_307 = arith.constant 0 : i32
      %dma_start3A_308 = tpu.memref_slice %arg10[%dma_start3A_306, %dma_start3A_307] : memref<384x128xf32, #tpu.memory_space<vmem>> -> memref<96x128xf32, #tpu.memory_space<vmem>>
      %dma_start3A_309 = arith.constant 0 : i32
      %dma_start3A_310 = tpu.memref_slice %arg2[%add3A_300, %dma_start3A_309] : memref<320000x128xf32, #tpu.memory_space<hbm>> -> memref<96x128xf32, #tpu.memory_space<hbm>>
      tpu.enqueue_dma source(%dma_start3A_310 : memref<96x128xf32, #tpu.memory_space<hbm>>) target(%dma_start3A_308 : memref<96x128xf32, #tpu.memory_space<vmem>>) target_semaphore(%arg15 : memref<!tpu.dma_semaphore, #tpu.memory_space<semaphore_mem>>)
      %mul3A_311 = arith.constant 96 : i32
      %mul3A_312 = arith.muli %add3A_297, %mul3A_311 : i32
      %add3A_313 = arith.addi %mul3A_2, %mul3A_312 : i32
      %dma_start3A_314 = tpu.memref_slice %arg3[%add3A_313] : memref<320000xi32, #tpu.memory_space<hbm>> -> memref<96xi32, #tpu.memory_space<hbm>>
      %dma_start3A_315 = tpu.memref_slice %arg3[%add3A_313] : memref<320000xi32, #tpu.memory_space<hbm>> -> memref<96xi32, #tpu.memory_space<hbm>>
      tpu.enqueue_dma source(%dma_start3A_315 : memref<96xi32, #tpu.memory_space<hbm>>) target(%arg8 : memref<96xi32, #tpu.memory_space<vmem>>) target_semaphore(%arg15 : memref<!tpu.dma_semaphore, #tpu.memory_space<semaphore_mem>>)
      "tpu.region"() ({
        %run_scoped3A = tpu.sem_alloc : memref<!tpu.dma_semaphore, #tpu.memory_space<semaphore_mem>>
        %dma_start3A_391 = arith.constant 0 : i32
        %dma_start3A_392 = arith.constant 0 : i32
        %dma_start3A_393 = tpu.memref_slice %arg10[%dma_start3A_391, %dma_start3A_392] : memref<384x128xf32, #tpu.memory_space<vmem>> -> memref<96x128xf32, #tpu.memory_space<vmem>>
        %dma_start3A_394 = arith.constant 0 : i32
        %dma_start3A_395 = arith.constant 0 : i32
        %dma_start3A_396 = tpu.memref_slice %arg11[%dma_start3A_394, %dma_start3A_395] : memref<10000x128xf32, #tpu.memory_space<vmem_shared>> -> memref<10000x128xf32, #tpu.memory_space<vmem_shared>>
        tpu.enqueue_indirect_dma source(%dma_start3A_393 : memref<96x128xf32, #tpu.memory_space<vmem>>) target(%dma_start3A_396 : memref<10000x128xf32, #tpu.memory_space<vmem_shared>>) offsets(%arg5 : memref<96xi32, #tpu.memory_space<vmem>>) semaphore(%run_scoped3A : memref<!tpu.dma_semaphore, #tpu.memory_space<semaphore_mem>>) {add = true}
        %dma_wait3A_397 = arith.constant 0 : i32
        %dma_wait3A_398 = arith.constant 0 : i32
        %dma_wait3A_399 = tpu.memref_slice %arg10[%dma_wait3A_397, %dma_wait3A_398] : memref<384x128xf32, #tpu.memory_space<vmem>> -> memref<96x128xf32, #tpu.memory_space<vmem>>
        %dma_wait3A_400 = arith.constant 0 : i32
        %dma_wait3A_401 = arith.constant 0 : i32
        %dma_wait3A_402 = tpu.memref_slice %arg11[%dma_wait3A_400, %dma_wait3A_401] : memref<10000x128xf32, #tpu.memory_space<vmem_shared>> -> memref<10000x128xf32, #tpu.memory_space<vmem_shared>>
        tpu.wait_indirect_dma semaphore(%run_scoped3A : memref<!tpu.dma_semaphore, #tpu.memory_space<semaphore_mem>>) src(%dma_wait3A_399 : memref<96x128xf32, #tpu.memory_space<vmem>>) dst(%dma_wait3A_402 : memref<10000x128xf32, #tpu.memory_space<vmem_shared>>)
        tpu.yield
      }) : () -> ()
      %add3A_316 = arith.constant 1 : i32
      %add3A_317 = arith.addi %mul3A_275, %add3A_316 : i32
      %mul3A_318 = arith.constant 96 : i32
      %mul3A_319 = arith.muli %add3A_317, %mul3A_318 : i32
      %add3A_320 = arith.addi %mul3A_2, %mul3A_319 : i32
      %dma_wait3A_321 = arith.constant 96 : i32
      %dma_wait3A_322 = arith.constant 0 : i32
      %dma_wait3A_323 = tpu.memref_slice %arg10[%dma_wait3A_321, %dma_wait3A_322] : memref<384x128xf32, #tpu.memory_space<vmem>> -> memref<96x128xf32, #tpu.memory_space<vmem>>
      %dma_wait3A_324 = arith.constant 0 : i32
      %dma_wait3A_325 = tpu.memref_slice %arg2[%add3A_320, %dma_wait3A_324] : memref<320000x128xf32, #tpu.memory_space<hbm>> -> memref<96x128xf32, #tpu.memory_space<hbm>>
      %dma_wait3A_326 = arith.constant 96 : i32
      %dma_wait3A_327 = arith.constant 0 : i32
      %dma_wait3A_328 = tpu.memref_slice %arg10[%dma_wait3A_326, %dma_wait3A_327] : memref<384x128xf32, #tpu.memory_space<vmem>> -> memref<96x128xf32, #tpu.memory_space<vmem>>
      %dma_wait3A_329 = arith.constant 0 : i32
      %dma_wait3A_330 = tpu.memref_slice %arg2[%add3A_320, %dma_wait3A_329] : memref<320000x128xf32, #tpu.memory_space<hbm>> -> memref<96x128xf32, #tpu.memory_space<hbm>>
      tpu.wait_dma2 semaphore(%arg13 : memref<!tpu.dma_semaphore, #tpu.memory_space<semaphore_mem>>) src(%dma_wait3A_330 : memref<96x128xf32, #tpu.memory_space<hbm>>) dst(%dma_wait3A_328 : memref<96x128xf32, #tpu.memory_space<vmem>>)
      %mul3A_331 = arith.constant 96 : i32
      %mul3A_332 = arith.muli %add3A_317, %mul3A_331 : i32
      %add3A_333 = arith.addi %mul3A_2, %mul3A_332 : i32
      %dma_wait3A_334 = tpu.memref_slice %arg3[%add3A_333] : memref<320000xi32, #tpu.memory_space<hbm>> -> memref<96xi32, #tpu.memory_space<hbm>>
      %dma_wait3A_335 = tpu.memref_slice %arg3[%add3A_333] : memref<320000xi32, #tpu.memory_space<hbm>> -> memref<96xi32, #tpu.memory_space<hbm>>
      tpu.wait_dma2 semaphore(%arg13 : memref<!tpu.dma_semaphore, #tpu.memory_space<semaphore_mem>>) src(%dma_wait3A_335 : memref<96xi32, #tpu.memory_space<hbm>>) dst(%arg6 : memref<96xi32, #tpu.memory_space<vmem>>)
      %lt3A_336 = arith.constant 25 : i32
      %lt3A_337 = arith.cmpi slt, %scan3A_273, %lt3A_336 : i32
      %convert_element_type3A_338 = arith.extui %lt3A_337 : i1 to i32
      %cond3A_339 = arith.constant 0 : i32
      %cond3A_340 = arith.cmpi ne, %convert_element_type3A_338, %cond3A_339 : i32
      scf.if %cond3A_340 {
        %add3A_391 = arith.constant 3 : i32
        %add3A_392 = arith.addi %add3A_317, %add3A_391 : i32
        %mul3A_393 = arith.constant 96 : i32
        %mul3A_394 = arith.muli %add3A_392, %mul3A_393 : i32
        %add3A_395 = arith.addi %mul3A_2, %mul3A_394 : i32
        %dma_start3A_396 = arith.constant 0 : i32
        %dma_start3A_397 = arith.constant 0 : i32
        %dma_start3A_398 = tpu.memref_slice %arg10[%dma_start3A_396, %dma_start3A_397] : memref<384x128xf32, #tpu.memory_space<vmem>> -> memref<96x128xf32, #tpu.memory_space<vmem>>
        %dma_start3A_399 = arith.constant 0 : i32
        %dma_start3A_400 = tpu.memref_slice %arg2[%add3A_395, %dma_start3A_399] : memref<320000x128xf32, #tpu.memory_space<hbm>> -> memref<96x128xf32, #tpu.memory_space<hbm>>
        %dma_start3A_401 = arith.constant 0 : i32
        %dma_start3A_402 = arith.constant 0 : i32
        %dma_start3A_403 = tpu.memref_slice %arg10[%dma_start3A_401, %dma_start3A_402] : memref<384x128xf32, #tpu.memory_space<vmem>> -> memref<96x128xf32, #tpu.memory_space<vmem>>
        %dma_start3A_404 = arith.constant 0 : i32
        %dma_start3A_405 = tpu.memref_slice %arg2[%add3A_395, %dma_start3A_404] : memref<320000x128xf32, #tpu.memory_space<hbm>> -> memref<96x128xf32, #tpu.memory_space<hbm>>
        tpu.enqueue_dma source(%dma_start3A_405 : memref<96x128xf32, #tpu.memory_space<hbm>>) target(%dma_start3A_403 : memref<96x128xf32, #tpu.memory_space<vmem>>) target_semaphore(%arg12 : memref<!tpu.dma_semaphore, #tpu.memory_space<semaphore_mem>>)
        %mul3A_406 = arith.constant 96 : i32
        %mul3A_407 = arith.muli %add3A_392, %mul3A_406 : i32
        %add3A_408 = arith.addi %mul3A_2, %mul3A_407 : i32
        %dma_start3A_409 = tpu.memref_slice %arg3[%add3A_408] : memref<320000xi32, #tpu.memory_space<hbm>> -> memref<96xi32, #tpu.memory_space<hbm>>
        %dma_start3A_410 = tpu.memref_slice %arg3[%add3A_408] : memref<320000xi32, #tpu.memory_space<hbm>> -> memref<96xi32, #tpu.memory_space<hbm>>
        tpu.enqueue_dma source(%dma_start3A_410 : memref<96xi32, #tpu.memory_space<hbm>>) target(%arg5 : memref<96xi32, #tpu.memory_space<vmem>>) target_semaphore(%arg12 : memref<!tpu.dma_semaphore, #tpu.memory_space<semaphore_mem>>)
      } else {
      }
      "tpu.region"() ({
        %run_scoped3A = tpu.sem_alloc : memref<!tpu.dma_semaphore, #tpu.memory_space<semaphore_mem>>
        %dma_start3A_391 = arith.constant 96 : i32
        %dma_start3A_392 = arith.constant 0 : i32
        %dma_start3A_393 = tpu.memref_slice %arg10[%dma_start3A_391, %dma_start3A_392] : memref<384x128xf32, #tpu.memory_space<vmem>> -> memref<96x128xf32, #tpu.memory_space<vmem>>
        %dma_start3A_394 = arith.constant 0 : i32
        %dma_start3A_395 = arith.constant 0 : i32
        %dma_start3A_396 = tpu.memref_slice %arg11[%dma_start3A_394, %dma_start3A_395] : memref<10000x128xf32, #tpu.memory_space<vmem_shared>> -> memref<10000x128xf32, #tpu.memory_space<vmem_shared>>
        tpu.enqueue_indirect_dma source(%dma_start3A_393 : memref<96x128xf32, #tpu.memory_space<vmem>>) target(%dma_start3A_396 : memref<10000x128xf32, #tpu.memory_space<vmem_shared>>) offsets(%arg6 : memref<96xi32, #tpu.memory_space<vmem>>) semaphore(%run_scoped3A : memref<!tpu.dma_semaphore, #tpu.memory_space<semaphore_mem>>) {add = true}
        %dma_wait3A_397 = arith.constant 96 : i32
        %dma_wait3A_398 = arith.constant 0 : i32
        %dma_wait3A_399 = tpu.memref_slice %arg10[%dma_wait3A_397, %dma_wait3A_398] : memref<384x128xf32, #tpu.memory_space<vmem>> -> memref<96x128xf32, #tpu.memory_space<vmem>>
        %dma_wait3A_400 = arith.constant 0 : i32
        %dma_wait3A_401 = arith.constant 0 : i32
        %dma_wait3A_402 = tpu.memref_slice %arg11[%dma_wait3A_400, %dma_wait3A_401] : memref<10000x128xf32, #tpu.memory_space<vmem_shared>> -> memref<10000x128xf32, #tpu.memory_space<vmem_shared>>
        tpu.wait_indirect_dma semaphore(%run_scoped3A : memref<!tpu.dma_semaphore, #tpu.memory_space<semaphore_mem>>) src(%dma_wait3A_399 : memref<96x128xf32, #tpu.memory_space<vmem>>) dst(%dma_wait3A_402 : memref<10000x128xf32, #tpu.memory_space<vmem_shared>>)
        tpu.yield
      }) : () -> ()
      %add3A_341 = arith.constant 2 : i32
      %add3A_342 = arith.addi %mul3A_275, %add3A_341 : i32
      %mul3A_343 = arith.constant 96 : i32
      %mul3A_344 = arith.muli %add3A_342, %mul3A_343 : i32
      %add3A_345 = arith.addi %mul3A_2, %mul3A_344 : i32
      %dma_wait3A_346 = arith.constant 192 : i32
      %dma_wait3A_347 = arith.constant 0 : i32
      %dma_wait3A_348 = tpu.memref_slice %arg10[%dma_wait3A_346, %dma_wait3A_347] : memref<384x128xf32, #tpu.memory_space<vmem>> -> memref<96x128xf32, #tpu.memory_space<vmem>>
      %dma_wait3A_349 = arith.constant 0 : i32
      %dma_wait3A_350 = tpu.memref_slice %arg2[%add3A_345, %dma_wait3A_349] : memref<320000x128xf32, #tpu.memory_space<hbm>> -> memref<96x128xf32, #tpu.memory_space<hbm>>
      %dma_wait3A_351 = arith.constant 192 : i32
      %dma_wait3A_352 = arith.constant 0 : i32
      %dma_wait3A_353 = tpu.memref_slice %arg10[%dma_wait3A_351, %dma_wait3A_352] : memref<384x128xf32, #tpu.memory_space<vmem>> -> memref<96x128xf32, #tpu.memory_space<vmem>>
      %dma_wait3A_354 = arith.constant 0 : i32
      %dma_wait3A_355 = tpu.memref_slice %arg2[%add3A_345, %dma_wait3A_354] : memref<320000x128xf32, #tpu.memory_space<hbm>> -> memref<96x128xf32, #tpu.memory_space<hbm>>
      tpu.wait_dma2 semaphore(%arg14 : memref<!tpu.dma_semaphore, #tpu.memory_space<semaphore_mem>>) src(%dma_wait3A_355 : memref<96x128xf32, #tpu.memory_space<hbm>>) dst(%dma_wait3A_353 : memref<96x128xf32, #tpu.memory_space<vmem>>)
      %mul3A_356 = arith.constant 96 : i32
      %mul3A_357 = arith.muli %add3A_342, %mul3A_356 : i32
      %add3A_358 = arith.addi %mul3A_2, %mul3A_357 : i32
      %dma_wait3A_359 = tpu.memref_slice %arg3[%add3A_358] : memref<320000xi32, #tpu.memory_space<hbm>> -> memref<96xi32, #tpu.memory_space<hbm>>
      %dma_wait3A_360 = tpu.memref_slice %arg3[%add3A_358] : memref<320000xi32, #tpu.memory_space<hbm>> -> memref<96xi32, #tpu.memory_space<hbm>>
      tpu.wait_dma2 semaphore(%arg14 : memref<!tpu.dma_semaphore, #tpu.memory_space<semaphore_mem>>) src(%dma_wait3A_360 : memref<96xi32, #tpu.memory_space<hbm>>) dst(%arg7 : memref<96xi32, #tpu.memory_space<vmem>>)
      %lt3A_361 = arith.constant 25 : i32
      %lt3A_362 = arith.cmpi slt, %scan3A_273, %lt3A_361 : i32
      %convert_element_type3A_363 = arith.extui %lt3A_362 : i1 to i32
      %cond3A_364 = arith.constant 0 : i32
      %cond3A_365 = arith.cmpi ne, %convert_element_type3A_363, %cond3A_364 : i32
      scf.if %cond3A_365 {
        %add3A_391 = arith.constant 3 : i32
        %add3A_392 = arith.addi %add3A_342, %add3A_391 : i32
        %mul3A_393 = arith.constant 96 : i32
        %mul3A_394 = arith.muli %add3A_392, %mul3A_393 : i32
        %add3A_395 = arith.addi %mul3A_2, %mul3A_394 : i32
        %dma_start3A_396 = arith.constant 96 : i32
        %dma_start3A_397 = arith.constant 0 : i32
        %dma_start3A_398 = tpu.memref_slice %arg10[%dma_start3A_396, %dma_start3A_397] : memref<384x128xf32, #tpu.memory_space<vmem>> -> memref<96x128xf32, #tpu.memory_space<vmem>>
        %dma_start3A_399 = arith.constant 0 : i32
        %dma_start3A_400 = tpu.memref_slice %arg2[%add3A_395, %dma_start3A_399] : memref<320000x128xf32, #tpu.memory_space<hbm>> -> memref<96x128xf32, #tpu.memory_space<hbm>>
        %dma_start3A_401 = arith.constant 96 : i32
        %dma_start3A_402 = arith.constant 0 : i32
        %dma_start3A_403 = tpu.memref_slice %arg10[%dma_start3A_401, %dma_start3A_402] : memref<384x128xf32, #tpu.memory_space<vmem>> -> memref<96x128xf32, #tpu.memory_space<vmem>>
        %dma_start3A_404 = arith.constant 0 : i32
        %dma_start3A_405 = tpu.memref_slice %arg2[%add3A_395, %dma_start3A_404] : memref<320000x128xf32, #tpu.memory_space<hbm>> -> memref<96x128xf32, #tpu.memory_space<hbm>>
        tpu.enqueue_dma source(%dma_start3A_405 : memref<96x128xf32, #tpu.memory_space<hbm>>) target(%dma_start3A_403 : memref<96x128xf32, #tpu.memory_space<vmem>>) target_semaphore(%arg13 : memref<!tpu.dma_semaphore, #tpu.memory_space<semaphore_mem>>)
        %mul3A_406 = arith.constant 96 : i32
        %mul3A_407 = arith.muli %add3A_392, %mul3A_406 : i32
        %add3A_408 = arith.addi %mul3A_2, %mul3A_407 : i32
        %dma_start3A_409 = tpu.memref_slice %arg3[%add3A_408] : memref<320000xi32, #tpu.memory_space<hbm>> -> memref<96xi32, #tpu.memory_space<hbm>>
        %dma_start3A_410 = tpu.memref_slice %arg3[%add3A_408] : memref<320000xi32, #tpu.memory_space<hbm>> -> memref<96xi32, #tpu.memory_space<hbm>>
        tpu.enqueue_dma source(%dma_start3A_410 : memref<96xi32, #tpu.memory_space<hbm>>) target(%arg6 : memref<96xi32, #tpu.memory_space<vmem>>) target_semaphore(%arg13 : memref<!tpu.dma_semaphore, #tpu.memory_space<semaphore_mem>>)
      } else {
      }
      "tpu.region"() ({
        %run_scoped3A = tpu.sem_alloc : memref<!tpu.dma_semaphore, #tpu.memory_space<semaphore_mem>>
        %dma_start3A_391 = arith.constant 192 : i32
        %dma_start3A_392 = arith.constant 0 : i32
        %dma_start3A_393 = tpu.memref_slice %arg10[%dma_start3A_391, %dma_start3A_392] : memref<384x128xf32, #tpu.memory_space<vmem>> -> memref<96x128xf32, #tpu.memory_space<vmem>>
        %dma_start3A_394 = arith.constant 0 : i32
        %dma_start3A_395 = arith.constant 0 : i32
        %dma_start3A_396 = tpu.memref_slice %arg11[%dma_start3A_394, %dma_start3A_395] : memref<10000x128xf32, #tpu.memory_space<vmem_shared>> -> memref<10000x128xf32, #tpu.memory_space<vmem_shared>>
        tpu.enqueue_indirect_dma source(%dma_start3A_393 : memref<96x128xf32, #tpu.memory_space<vmem>>) target(%dma_start3A_396 : memref<10000x128xf32, #tpu.memory_space<vmem_shared>>) offsets(%arg7 : memref<96xi32, #tpu.memory_space<vmem>>) semaphore(%run_scoped3A : memref<!tpu.dma_semaphore, #tpu.memory_space<semaphore_mem>>) {add = true}
        %dma_wait3A_397 = arith.constant 192 : i32
        %dma_wait3A_398 = arith.constant 0 : i32
        %dma_wait3A_399 = tpu.memref_slice %arg10[%dma_wait3A_397, %dma_wait3A_398] : memref<384x128xf32, #tpu.memory_space<vmem>> -> memref<96x128xf32, #tpu.memory_space<vmem>>
        %dma_wait3A_400 = arith.constant 0 : i32
        %dma_wait3A_401 = arith.constant 0 : i32
        %dma_wait3A_402 = tpu.memref_slice %arg11[%dma_wait3A_400, %dma_wait3A_401] : memref<10000x128xf32, #tpu.memory_space<vmem_shared>> -> memref<10000x128xf32, #tpu.memory_space<vmem_shared>>
        tpu.wait_indirect_dma semaphore(%run_scoped3A : memref<!tpu.dma_semaphore, #tpu.memory_space<semaphore_mem>>) src(%dma_wait3A_399 : memref<96x128xf32, #tpu.memory_space<vmem>>) dst(%dma_wait3A_402 : memref<10000x128xf32, #tpu.memory_space<vmem_shared>>)
        tpu.yield
      }) : () -> ()
      %add3A_366 = arith.constant 3 : i32
      %add3A_367 = arith.addi %mul3A_275, %add3A_366 : i32
      %mul3A_368 = arith.constant 96 : i32
      %mul3A_369 = arith.muli %add3A_367, %mul3A_368 : i32
      %add3A_370 = arith.addi %mul3A_2, %mul3A_369 : i32
      %dma_wait3A_371 = arith.constant 288 : i32
      %dma_wait3A_372 = arith.constant 0 : i32
      %dma_wait3A_373 = tpu.memref_slice %arg10[%dma_wait3A_371, %dma_wait3A_372] : memref<384x128xf32, #tpu.memory_space<vmem>> -> memref<96x128xf32, #tpu.memory_space<vmem>>
      %dma_wait3A_374 = arith.constant 0 : i32
      %dma_wait3A_375 = tpu.memref_slice %arg2[%add3A_370, %dma_wait3A_374] : memref<320000x128xf32, #tpu.memory_space<hbm>> -> memref<96x128xf32, #tpu.memory_space<hbm>>
      %dma_wait3A_376 = arith.constant 288 : i32
      %dma_wait3A_377 = arith.constant 0 : i32
      %dma_wait3A_378 = tpu.memref_slice %arg10[%dma_wait3A_376, %dma_wait3A_377] : memref<384x128xf32, #tpu.memory_space<vmem>> -> memref<96x128xf32, #tpu.memory_space<vmem>>
      %dma_wait3A_379 = arith.constant 0 : i32
      %dma_wait3A_380 = tpu.memref_slice %arg2[%add3A_370, %dma_wait3A_379] : memref<320000x128xf32, #tpu.memory_space<hbm>> -> memref<96x128xf32, #tpu.memory_space<hbm>>
      tpu.wait_dma2 semaphore(%arg15 : memref<!tpu.dma_semaphore, #tpu.memory_space<semaphore_mem>>) src(%dma_wait3A_380 : memref<96x128xf32, #tpu.memory_space<hbm>>) dst(%dma_wait3A_378 : memref<96x128xf32, #tpu.memory_space<vmem>>)
      %mul3A_381 = arith.constant 96 : i32
      %mul3A_382 = arith.muli %add3A_367, %mul3A_381 : i32
      %add3A_383 = arith.addi %mul3A_2, %mul3A_382 : i32
      %dma_wait3A_384 = tpu.memref_slice %arg3[%add3A_383] : memref<320000xi32, #tpu.memory_space<hbm>> -> memref<96xi32, #tpu.memory_space<hbm>>
      %dma_wait3A_385 = tpu.memref_slice %arg3[%add3A_383] : memref<320000xi32, #tpu.memory_space<hbm>> -> memref<96xi32, #tpu.memory_space<hbm>>
      tpu.wait_dma2 semaphore(%arg15 : memref<!tpu.dma_semaphore, #tpu.memory_space<semaphore_mem>>) src(%dma_wait3A_385 : memref<96xi32, #tpu.memory_space<hbm>>) dst(%arg8 : memref<96xi32, #tpu.memory_space<vmem>>)
      %lt3A_386 = arith.constant 25 : i32
      %lt3A_387 = arith.cmpi slt, %scan3A_273, %lt3A_386 : i32
      %convert_element_type3A_388 = arith.extui %lt3A_387 : i1 to i32
      %cond3A_389 = arith.constant 0 : i32
      %cond3A_390 = arith.cmpi ne, %convert_element_type3A_388, %cond3A_389 : i32
      scf.if %cond3A_390 {
        %add3A_391 = arith.constant 3 : i32
        %add3A_392 = arith.addi %add3A_367, %add3A_391 : i32
        %mul3A_393 = arith.constant 96 : i32
        %mul3A_394 = arith.muli %add3A_392, %mul3A_393 : i32
        %add3A_395 = arith.addi %mul3A_2, %mul3A_394 : i32
        %dma_start3A_396 = arith.constant 192 : i32
        %dma_start3A_397 = arith.constant 0 : i32
        %dma_start3A_398 = tpu.memref_slice %arg10[%dma_start3A_396, %dma_start3A_397] : memref<384x128xf32, #tpu.memory_space<vmem>> -> memref<96x128xf32, #tpu.memory_space<vmem>>
        %dma_start3A_399 = arith.constant 0 : i32
        %dma_start3A_400 = tpu.memref_slice %arg2[%add3A_395, %dma_start3A_399] : memref<320000x128xf32, #tpu.memory_space<hbm>> -> memref<96x128xf32, #tpu.memory_space<hbm>>
        %dma_start3A_401 = arith.constant 192 : i32
        %dma_start3A_402 = arith.constant 0 : i32
        %dma_start3A_403 = tpu.memref_slice %arg10[%dma_start3A_401, %dma_start3A_402] : memref<384x128xf32, #tpu.memory_space<vmem>> -> memref<96x128xf32, #tpu.memory_space<vmem>>
        %dma_start3A_404 = arith.constant 0 : i32
        %dma_start3A_405 = tpu.memref_slice %arg2[%add3A_395, %dma_start3A_404] : memref<320000x128xf32, #tpu.memory_space<hbm>> -> memref<96x128xf32, #tpu.memory_space<hbm>>
        tpu.enqueue_dma source(%dma_start3A_405 : memref<96x128xf32, #tpu.memory_space<hbm>>) target(%dma_start3A_403 : memref<96x128xf32, #tpu.memory_space<vmem>>) target_semaphore(%arg14 : memref<!tpu.dma_semaphore, #tpu.memory_space<semaphore_mem>>)
        %mul3A_406 = arith.constant 96 : i32
        %mul3A_407 = arith.muli %add3A_392, %mul3A_406 : i32
        %add3A_408 = arith.addi %mul3A_2, %mul3A_407 : i32
        %dma_start3A_409 = tpu.memref_slice %arg3[%add3A_408] : memref<320000xi32, #tpu.memory_space<hbm>> -> memref<96xi32, #tpu.memory_space<hbm>>
        %dma_start3A_410 = tpu.memref_slice %arg3[%add3A_408] : memref<320000xi32, #tpu.memory_space<hbm>> -> memref<96xi32, #tpu.memory_space<hbm>>
        tpu.enqueue_dma source(%dma_start3A_410 : memref<96xi32, #tpu.memory_space<hbm>>) target(%arg7 : memref<96xi32, #tpu.memory_space<vmem>>) target_semaphore(%arg14 : memref<!tpu.dma_semaphore, #tpu.memory_space<semaphore_mem>>)
      } else {
      }
      "tpu.region"() ({
        %run_scoped3A = tpu.sem_alloc : memref<!tpu.dma_semaphore, #tpu.memory_space<semaphore_mem>>
        %dma_start3A_391 = arith.constant 288 : i32
        %dma_start3A_392 = arith.constant 0 : i32
        %dma_start3A_393 = tpu.memref_slice %arg10[%dma_start3A_391, %dma_start3A_392] : memref<384x128xf32, #tpu.memory_space<vmem>> -> memref<96x128xf32, #tpu.memory_space<vmem>>
        %dma_start3A_394 = arith.constant 0 : i32
        %dma_start3A_395 = arith.constant 0 : i32
        %dma_start3A_396 = tpu.memref_slice %arg11[%dma_start3A_394, %dma_start3A_395] : memref<10000x128xf32, #tpu.memory_space<vmem_shared>> -> memref<10000x128xf32, #tpu.memory_space<vmem_shared>>
        tpu.enqueue_indirect_dma source(%dma_start3A_393 : memref<96x128xf32, #tpu.memory_space<vmem>>) target(%dma_start3A_396 : memref<10000x128xf32, #tpu.memory_space<vmem_shared>>) offsets(%arg8 : memref<96xi32, #tpu.memory_space<vmem>>) semaphore(%run_scoped3A : memref<!tpu.dma_semaphore, #tpu.memory_space<semaphore_mem>>) {add = true}
        %dma_wait3A_397 = arith.constant 288 : i32
        %dma_wait3A_398 = arith.constant 0 : i32
        %dma_wait3A_399 = tpu.memref_slice %arg10[%dma_wait3A_397, %dma_wait3A_398] : memref<384x128xf32, #tpu.memory_space<vmem>> -> memref<96x128xf32, #tpu.memory_space<vmem>>
        %dma_wait3A_400 = arith.constant 0 : i32
        %dma_wait3A_401 = arith.constant 0 : i32
        %dma_wait3A_402 = tpu.memref_slice %arg11[%dma_wait3A_400, %dma_wait3A_401] : memref<10000x128xf32, #tpu.memory_space<vmem_shared>> -> memref<10000x128xf32, #tpu.memory_space<vmem_shared>>
        tpu.wait_indirect_dma semaphore(%run_scoped3A : memref<!tpu.dma_semaphore, #tpu.memory_space<semaphore_mem>>) src(%dma_wait3A_399 : memref<96x128xf32, #tpu.memory_space<vmem>>) dst(%dma_wait3A_402 : memref<10000x128xf32, #tpu.memory_space<vmem_shared>>)
        tpu.yield
      }) : () -> ()
    }
    %scan3A_260 = arith.constant 26 : i32
    %add3A_261 = arith.constant 9984 : i32
    %add3A_262 = arith.addi %mul3A_2, %add3A_261 : i32
    "tpu.region"() ({
      %run_scoped3A = tpu.sem_alloc : memref<!tpu.dma_semaphore, #tpu.memory_space<semaphore_mem>>
      %dma_start3A_273 = arith.constant 0 : i32
      %dma_start3A_274 = arith.constant 0 : i32
      %dma_start3A_275 = tpu.memref_slice %arg10[%dma_start3A_273, %dma_start3A_274] : memref<384x128xf32, #tpu.memory_space<vmem>> -> memref<16x128xf32, #tpu.memory_space<vmem>>
      %dma_start3A_276 = arith.constant 0 : i32
      %dma_start3A_277 = tpu.memref_slice %arg2[%add3A_262, %dma_start3A_276] : memref<320000x128xf32, #tpu.memory_space<hbm>> -> memref<16x128xf32, #tpu.memory_space<hbm>>
      %dma_start3A_278 = arith.constant 0 : i32
      %dma_start3A_279 = arith.constant 0 : i32
      %dma_start3A_280 = tpu.memref_slice %arg10[%dma_start3A_278, %dma_start3A_279] : memref<384x128xf32, #tpu.memory_space<vmem>> -> memref<16x128xf32, #tpu.memory_space<vmem>>
      %dma_start3A_281 = arith.constant 0 : i32
      %dma_start3A_282 = tpu.memref_slice %arg2[%add3A_262, %dma_start3A_281] : memref<320000x128xf32, #tpu.memory_space<hbm>> -> memref<16x128xf32, #tpu.memory_space<hbm>>
      tpu.enqueue_dma source(%dma_start3A_282 : memref<16x128xf32, #tpu.memory_space<hbm>>) target(%dma_start3A_280 : memref<16x128xf32, #tpu.memory_space<vmem>>) target_semaphore(%run_scoped3A : memref<!tpu.dma_semaphore, #tpu.memory_space<semaphore_mem>>)
      %dma_wait3A_283 = arith.constant 0 : i32
      %dma_wait3A_284 = arith.constant 0 : i32
      %dma_wait3A_285 = tpu.memref_slice %arg10[%dma_wait3A_283, %dma_wait3A_284] : memref<384x128xf32, #tpu.memory_space<vmem>> -> memref<16x128xf32, #tpu.memory_space<vmem>>
      %dma_wait3A_286 = arith.constant 0 : i32
      %dma_wait3A_287 = tpu.memref_slice %arg2[%add3A_262, %dma_wait3A_286] : memref<320000x128xf32, #tpu.memory_space<hbm>> -> memref<16x128xf32, #tpu.memory_space<hbm>>
      %dma_wait3A_288 = arith.constant 0 : i32
      %dma_wait3A_289 = arith.constant 0 : i32
      %dma_wait3A_290 = tpu.memref_slice %arg10[%dma_wait3A_288, %dma_wait3A_289] : memref<384x128xf32, #tpu.memory_space<vmem>> -> memref<16x128xf32, #tpu.memory_space<vmem>>
      %dma_wait3A_291 = arith.constant 0 : i32
      %dma_wait3A_292 = tpu.memref_slice %arg2[%add3A_262, %dma_wait3A_291] : memref<320000x128xf32, #tpu.memory_space<hbm>> -> memref<16x128xf32, #tpu.memory_space<hbm>>
      tpu.wait_dma2 semaphore(%run_scoped3A : memref<!tpu.dma_semaphore, #tpu.memory_space<semaphore_mem>>) src(%dma_wait3A_292 : memref<16x128xf32, #tpu.memory_space<hbm>>) dst(%dma_wait3A_290 : memref<16x128xf32, #tpu.memory_space<vmem>>)
      tpu.yield
    }) : () -> ()
    "tpu.region"() ({
      %run_scoped3A = tpu.sem_alloc : memref<!tpu.dma_semaphore, #tpu.memory_space<semaphore_mem>>
      %dma_start3A_273 = arith.constant 0 : i32
      %dma_start3A_274 = arith.constant 0 : i32
      %dma_start3A_275 = tpu.memref_slice %arg10[%dma_start3A_273, %dma_start3A_274] : memref<384x128xf32, #tpu.memory_space<vmem>> -> memref<16x128xf32, #tpu.memory_space<vmem>>
      %dma_start3A_276 = arith.constant 0 : i32
      %dma_start3A_277 = arith.constant 0 : i32
      %dma_start3A_278 = tpu.memref_slice %arg11[%dma_start3A_276, %dma_start3A_277] : memref<10000x128xf32, #tpu.memory_space<vmem_shared>> -> memref<10000x128xf32, #tpu.memory_space<vmem_shared>>
      tpu.enqueue_indirect_dma source(%dma_start3A_275 : memref<16x128xf32, #tpu.memory_space<vmem>>) target(%dma_start3A_278 : memref<10000x128xf32, #tpu.memory_space<vmem_shared>>) offsets(%arg9 : memref<16xi32, #tpu.memory_space<vmem>>) semaphore(%run_scoped3A : memref<!tpu.dma_semaphore, #tpu.memory_space<semaphore_mem>>) {add = true}
      %dma_wait3A_279 = arith.constant 0 : i32
      %dma_wait3A_280 = arith.constant 0 : i32
      %dma_wait3A_281 = tpu.memref_slice %arg10[%dma_wait3A_279, %dma_wait3A_280] : memref<384x128xf32, #tpu.memory_space<vmem>> -> memref<16x128xf32, #tpu.memory_space<vmem>>
      %dma_wait3A_282 = arith.constant 0 : i32
      %dma_wait3A_283 = arith.constant 0 : i32
      %dma_wait3A_284 = tpu.memref_slice %arg11[%dma_wait3A_282, %dma_wait3A_283] : memref<10000x128xf32, #tpu.memory_space<vmem_shared>> -> memref<10000x128xf32, #tpu.memory_space<vmem_shared>>
      tpu.wait_indirect_dma semaphore(%run_scoped3A : memref<!tpu.dma_semaphore, #tpu.memory_space<semaphore_mem>>) src(%dma_wait3A_281 : memref<16x128xf32, #tpu.memory_space<vmem>>) dst(%dma_wait3A_284 : memref<10000x128xf32, #tpu.memory_space<vmem_shared>>)
      tpu.yield
    }) : () -> ()
    %barrier3A_263 = arith.constant 0 : index
    tpu.barrier barrier_id(%barrier3A_263)
    %lt3A = arith.constant 15 : i32
    %lt3A_264 = arith.cmpi slt, %arg1, %lt3A : i32
    %convert_element_type3A_265 = arith.extui %lt3A_264 : i1 to i32
    %cond3A_266 = arith.constant 0 : i32
    %cond3A_267 = arith.cmpi ne, %convert_element_type3A_265, %cond3A_266 : i32
    scf.if %cond3A_267 {
      %mul3A_273 = arith.constant 624 : i32
      %mul3A_274 = arith.muli %arg1, %mul3A_273 : i32
      %mul3A_275 = arith.constant 624 : i32
      %mul3A_276 = arith.muli %arg1, %mul3A_275 : i32
      "tpu.region"() ({
        %run_scoped3A = tpu.sem_alloc : memref<!tpu.dma_semaphore, #tpu.memory_space<semaphore_mem>>
        %dma_start3A_277 = arith.constant 0 : i32
        %dma_start3A_278 = tpu.memref_slice %arg4[%arg0, %mul3A_276, %dma_start3A_277] : memref<2x10000x128xf32, #tpu.memory_space<hbm>> -> memref<1x624x128xf32, #tpu.memory_space<hbm>>
        %dma_start3A_279 = tpu.memref_squeeze %dma_start3A_278 : memref<1x624x128xf32, #tpu.memory_space<hbm>> -> memref<624x128xf32, #tpu.memory_space<hbm>>
        %dma_start3A_280 = arith.constant 0 : i32
        %dma_start3A_281 = tpu.memref_slice %arg11[%mul3A_274, %dma_start3A_280] : memref<10000x128xf32, #tpu.memory_space<vmem_shared>> -> memref<624x128xf32, #tpu.memory_space<vmem_shared>>
        tpu.enqueue_dma source(%dma_start3A_281 : memref<624x128xf32, #tpu.memory_space<vmem_shared>>) target(%dma_start3A_279 : memref<624x128xf32, #tpu.memory_space<hbm>>) target_semaphore(%run_scoped3A : memref<!tpu.dma_semaphore, #tpu.memory_space<semaphore_mem>>)
        %dma_wait3A_282 = arith.constant 0 : i32
        %dma_wait3A_283 = tpu.memref_slice %arg4[%arg0, %mul3A_276, %dma_wait3A_282] : memref<2x10000x128xf32, #tpu.memory_space<hbm>> -> memref<1x624x128xf32, #tpu.memory_space<hbm>>
        %dma_wait3A_284 = tpu.memref_squeeze %dma_wait3A_283 : memref<1x624x128xf32, #tpu.memory_space<hbm>> -> memref<624x128xf32, #tpu.memory_space<hbm>>
        %dma_wait3A_285 = arith.constant 0 : i32
        %dma_wait3A_286 = tpu.memref_slice %arg11[%mul3A_274, %dma_wait3A_285] : memref<10000x128xf32, #tpu.memory_space<vmem_shared>> -> memref<624x128xf32, #tpu.memory_space<vmem_shared>>
        tpu.wait_dma2 semaphore(%run_scoped3A : memref<!tpu.dma_semaphore, #tpu.memory_space<semaphore_mem>>) src(%dma_wait3A_286 : memref<624x128xf32, #tpu.memory_space<vmem_shared>>) dst(%dma_wait3A_284 : memref<624x128xf32, #tpu.memory_space<hbm>>)
        tpu.yield
      }) : () -> ()
    } else {
    }
    %eq3A_268 = arith.constant 15 : i32
    %eq3A_269 = arith.cmpi eq, %arg1, %eq3A_268 : i32
    %convert_element_type3A_270 = arith.extui %eq3A_269 : i1 to i32
    %cond3A_271 = arith.constant 0 : i32
    %cond3A_272 = arith.cmpi ne, %convert_element_type3A_270, %cond3A_271 : i32
    scf.if %cond3A_272 {
      "tpu.region"() ({
        %run_scoped3A = tpu.sem_alloc : memref<!tpu.dma_semaphore, #tpu.memory_space<semaphore_mem>>
        %dma_start3A_273 = arith.constant 9360 : i32
        %dma_start3A_274 = arith.constant 0 : i32
        %dma_start3A_275 = tpu.memref_slice %arg4[%arg0, %dma_start3A_273, %dma_start3A_274] : memref<2x10000x128xf32, #tpu.memory_space<hbm>> -> memref<1x640x128xf32, #tpu.memory_space<hbm>>
        %dma_start3A_276 = tpu.memref_squeeze %dma_start3A_275 : memref<1x640x128xf32, #tpu.memory_space<hbm>> -> memref<640x128xf32, #tpu.memory_space<hbm>>
        %dma_start3A_277 = arith.constant 9360 : i32
        %dma_start3A_278 = arith.constant 0 : i32
        %dma_start3A_279 = tpu.memref_slice %arg11[%dma_start3A_277, %dma_start3A_278] : memref<10000x128xf32, #tpu.memory_space<vmem_shared>> -> memref<640x128xf32, #tpu.memory_space<vmem_shared>>
        tpu.enqueue_dma source(%dma_start3A_279 : memref<640x128xf32, #tpu.memory_space<vmem_shared>>) target(%dma_start3A_276 : memref<640x128xf32, #tpu.memory_space<hbm>>) target_semaphore(%run_scoped3A : memref<!tpu.dma_semaphore, #tpu.memory_space<semaphore_mem>>)
        %dma_wait3A_280 = arith.constant 9360 : i32
        %dma_wait3A_281 = arith.constant 0 : i32
        %dma_wait3A_282 = tpu.memref_slice %arg4[%arg0, %dma_wait3A_280, %dma_wait3A_281] : memref<2x10000x128xf32, #tpu.memory_space<hbm>> -> memref<1x640x128xf32, #tpu.memory_space<hbm>>
        %dma_wait3A_283 = tpu.memref_squeeze %dma_wait3A_282 : memref<1x640x128xf32, #tpu.memory_space<hbm>> -> memref<640x128xf32, #tpu.memory_space<hbm>>
        %dma_wait3A_284 = arith.constant 9360 : i32
        %dma_wait3A_285 = arith.constant 0 : i32
        %dma_wait3A_286 = tpu.memref_slice %arg11[%dma_wait3A_284, %dma_wait3A_285] : memref<10000x128xf32, #tpu.memory_space<vmem_shared>> -> memref<640x128xf32, #tpu.memory_space<vmem_shared>>
        tpu.wait_dma2 semaphore(%run_scoped3A : memref<!tpu.dma_semaphore, #tpu.memory_space<semaphore_mem>>) src(%dma_wait3A_286 : memref<640x128xf32, #tpu.memory_space<vmem_shared>>) dst(%dma_wait3A_283 : memref<640x128xf32, #tpu.memory_space<hbm>>)
        tpu.yield
      }) : () -> ()
    } else {
    }
    return
  }
}

module attributes {stable_mosaic.version = 14 : i64} {
  func.func @_combine_body(%arg0: i32, %arg1: memref<2x5000x128xf32, #tpu.memory_space<vmem>>, %arg2: memref<5000x128xf32, #tpu.memory_space<vmem>>) attributes {dimension_semantics = [#tpu.dimension_semantics<arbitrary>], iteration_bounds = array<i64: 2>, scalar_prefetch = 0 : i64, scratch_operands = 0 : i64, tpu.core_type = #tpu.core_type<tc>, window_params = [{transform_indices = @transform_0, window_bounds = array<i64: 2, 5000, 128>}, {transform_indices = @transform_1, window_bounds = array<i64: 5000, 128>}]} {
    %get3A = arith.constant 0 : index
    %get3A_0 = arith.constant 0 : index
    %get3A_1 = arith.constant 0 : index
    %get3A_2 = vector.load %arg1[%get3A, %get3A_0, %get3A_1] : memref<2x5000x128xf32, #tpu.memory_space<vmem>>, vector<1x5000x128xf32>
    %get3A_3 = vector.shape_cast %get3A_2 : vector<1x5000x128xf32> to vector<5000x128xf32>
    %get3A_4 = arith.constant 1 : index
    %get3A_5 = arith.constant 0 : index
    %get3A_6 = arith.constant 0 : index
    %get3A_7 = vector.load %arg1[%get3A_4, %get3A_5, %get3A_6] : memref<2x5000x128xf32, #tpu.memory_space<vmem>>, vector<1x5000x128xf32>
    %get3A_8 = vector.shape_cast %get3A_7 : vector<1x5000x128xf32> to vector<5000x128xf32>
    %add3A = arith.addf %get3A_3, %get3A_8 : vector<5000x128xf32>
    %swap3A = arith.constant 0 : index
    %swap3A_9 = arith.constant 0 : index
    %swap3A_10 = vector.load %arg2[%swap3A, %swap3A_9] : memref<5000x128xf32, #tpu.memory_space<vmem>>, vector<5000x128xf32>
    tpu.vector_store %arg2[%swap3A, %swap3A_9], %add3A {strides = array<i32>} : memref<5000x128xf32, #tpu.memory_space<vmem>>, vector<5000x128xf32>,
    return
  }
  func.func @transform_0(%arg0: i32) -> (i32, i32, i32) {
    %c0_i32 = arith.constant 0 : i32
    %c0_i32_0 = arith.constant 0 : i32
    %c0_i32_1 = arith.constant 0 : i32
    return %c0_i32, %arg0, %c0_i32_0 : i32, i32, i32
  }
  func.func @transform_1(%arg0: i32) -> (i32, i32) {
    %c0_i32 = arith.constant 0 : i32
    %c0_i32_0 = arith.constant 0 : i32
    return %arg0, %c0_i32 : i32, i32
  }
}

</mosaic_0001>

<sc_bundles>
// kernel: kernel.4.cloned.1.call-start
scs
__scs_entry_jumppad:
0x0: {  	(pc) =	sbr.rel $0x88, $3  }
0x1: {  	(tag) =	ssettag $0x0;
	lr =	simm.s32 $0x1  }
0x2: {  	[smem:$0x3F9F] =	sst lr;
	_ =	strace $0xD0000000  }
0x3: {  	_ = 	snop  }
0x4: {  	_ = 	snop  }
0x5: {  	_ = 	snop  }
0x6: {  	_ = 	snop  }
0x7: {  	_ = 	snop  }
__scs_overlays_trampoline_lowered:
0x8: {  	[smem:$0x3FAE] =	sst s0  }
0x9: {  	[smem:$0x3FAF] =	sst s1  }
0xa: {  	[smem:$0x3FB0] =	sst s2  }
0xb: {  	[smem:$0x3FB1] =	sst s3  }
0xc: {  	[smem:$0x3FB2] =	sst s4  }
0xd: {  	[smem:$0x3FB3] =	sst s5  }
0xe: {  	[smem:$0x3FB4] =	sst s6  }
0xf: {  	[smem:$0x3FB5] =	sst s7  }
0x10: {  	[smem:$0x3FB6] =	sst s8  }
0x11: {  	[smem:$0x3FB7] =	sst s9;
	s0 =	simm.s32 @!p0 $0x0  }
0x12: {  	s1 =	sld [smem:$0x3F9D];
	s0 =	simm.s32 @p0 $0x1  }
0x13: {  	[smem:$0x3FB8] =	sst s0;
	s0 =	simm.s32 @!p1 $0x0  }
0x14: {  	s2 =	sld [smem:$0x3F9C];
	s0 =	simm.s32 @p1 $0x1  }
0x15: {  	[smem:$0x3FB9] =	sst s0;
	s0 =	simm.s32 @!p2 $0x0  }
0x16: {  	s3 =	sld [smem:$0x3FDB];
	s0 =	simm.s32 @p2 $0x1  }
0x17: {  	s4 =	simm.s32 $0x1BF5;
	[smem:$0x3FBB] =	sst s0  }
0x18: {  	s0 =	sld [smem:$0x3F9E];
	_ =	swait.ge [sflag:s4], $0x0  }
0x19: {  	s7 =	sld [smem:$0x3F9F]  }
0x1a: {  	s8 =	sadd.s32 $0xFFFFE003, lr  }
0x1b: {  	s9 =	sadd.s32 $0xFFFFFEF7, lr;
	s5 =	simm.s32 $0xFFFFFFFF;
	p2 =	slt.u32 s8, $0xFFFFF086  }
0x1c: {  	p1 =	slt.u32 s9, $0xF7A;
	s5 =	simm.s32 @!p2 $0x0  }
0x1d: {  	s5 =	simm.s32 @p1 $0x1;
	p0 =	seq.s32 s7, s2  }
0x1e: {  	s7 =	smul.u32 @!p0 $0xF7A, s2;
	p2 =	seq.s32 @!p0 s5, $0x0  }
0x1f: {  	s9 =	smul.u32 $0xF7A, s1;
	s8 =	simm.s32 @!p0 $0x1BF5;
	p2 =	por !p2, p0  }
0x20: {  	[sflag:s8] =	ssyncset.s32 @!p0 $0xFFFFF086;
	s6 =	sadd.s32 @!p0 s3, s7;
	s7 =	simm.s32 @!p0 $0x108  }
0x21: {  	s3 =	sadd.s32 s3, s9;
	s6 =	sadd.s32 @!p0 $0x88, s6;
	s7 =	simm.s32 @p2 $0x1082  }
0x22: {  	[simem:s7], [sflag:s8] =	dma.local @!p0 [hbm:s6], $0xF7A  }
0x23: {  	s9 =	sor.u32 $0xD0000000, s2;
	s6 =	simm.s32 $0x108;
	_ =	swait.ge @!p0 [sflag:s8], $0x0  }
0x24: {  	s3 =	sadd.s32 $0x88, s3;
	s6 =	simm.s32 @!p1 $0x1082;
	[sflag:s4] =	ssyncset.s32 $0xFFFFF086  }
0x25: {  	[simem:s6], [sflag:s4] =	dma.local [hbm:s3], $0xF7A  }
0x26: {  	[smem:$0x3F9F] =	sst s1;
	(tag) =	ssettag s2;
	_ =	strace s9  }
0x27: {  	s1 =	sld [smem:$0x3FAF]  }
0x28: {  	s2 =	sld [smem:$0x3FB0]  }
0x29: {  	s4 =	sld [smem:$0x3FB2]  }
0x2a: {  	p0 =	seq.s32 s5, $0x0;
	s5 =	sld [smem:$0x3FB3]  }
0x2b: {  	s6 =	sld [smem:$0x3FB4]  }
0x2c: {  	s7 =	sld [smem:$0x3FB5]  }
0x2d: {  	s3 =	simm.s32 $0x108;
	s8 =	sld [smem:$0x3FB6]  }
0x2e: {  	s3 =	simm.s32 @!p0 $0x1082;
	s9 =	sld [smem:$0x3FB7]  }
0x2f: {  	lr =	sadd.s32 s0, s3;
	s0 =	sld [smem:$0x3FAE]  }
0x30: {  	s3 =	sld [smem:$0x3FB1]  }
0x31: {  	[smem:$0x3FBA] =	sst s10  }
0x32: {  	s10 =	sld [smem:$0x3FB8];
	_ =	sdelay $0x3  }
0x33: {  	p0 =	seq.s32 s10, $0x1;
	s10 =	sld [smem:$0x3FBA];
	_ =	sdelay $0x3  }
0x34: {  	[smem:$0x3FBA] =	sst s10  }
0x35: {  	s10 =	sld [smem:$0x3FB9];
	_ =	sdelay $0x3  }
0x36: {  	p1 =	seq.s32 s10, $0x1;
	s10 =	sld [smem:$0x3FBA];
	_ =	sdelay $0x3  }
0x37: {  	[smem:$0x3FBA] =	sst s10  }
0x38: {  	s10 =	sld [smem:$0x3FBB]  }
0x39: {  	_ = 	snop;
	(pc) =	sbr.ind lr, $3  }
0x3a: {  	_ = 	snop  }
0x3b: {  	_ = 	snop  }
0x3c: {  	p2 =	seq.s32 s10, $0x1;
	s10 =	sld [smem:$0x3FBA]  }
0x3d: {  	_ =	shalt  }
0x3e: {  	_ =	shalt  }
0x3f: {  	_ =	shalt  }
0x40: {  	_ =	shalt  }
0x41: {  	_ =	shalt  }
0x42: {  	_ =	shalt  }
0x43: {  	_ =	shalt  }
0x44: {  	_ =	shalt  }
0x45: {  	_ =	shalt  }
0x46: {  	_ =	shalt  }
0x47: {  	_ =	shalt  }
0x48: {  	_ =	shalt  }
0x49: {  	_ =	shalt  }
0x4a: {  	_ =	shalt  }
0x4b: {  	_ =	shalt  }
0x4c: {  	_ =	shalt  }
0x4d: {  	_ =	shalt  }
0x4e: {  	_ =	shalt  }
0x4f: {  	_ =	shalt  }
0x50: {  	_ =	shalt  }
0x51: {  	_ =	shalt  }
0x52: {  	_ =	shalt  }
0x53: {  	_ =	shalt  }
0x54: {  	_ =	shalt  }
0x55: {  	_ =	shalt  }
0x56: {  	_ =	shalt  }
0x57: {  	_ =	shalt  }
0x58: {  	_ =	shalt  }
0x59: {  	_ =	shalt  }
0x5a: {  	_ =	shalt  }
0x5b: {  	_ =	shalt  }
0x5c: {  	_ =	shalt  }
0x5d: {  	_ =	shalt  }
0x5e: {  	_ =	shalt  }
0x5f: {  	_ =	shalt  }
0x60: {  	_ =	shalt  }
0x61: {  	_ =	shalt  }
0x62: {  	_ =	shalt  }
0x63: {  	_ =	shalt  }
0x64: {  	_ =	shalt  }
0x65: {  	_ =	shalt  }
0x66: {  	_ =	shalt  }
0x67: {  	_ =	shalt  }
0x68: {  	_ =	shalt  }
0x69: {  	_ =	shalt  }
0x6a: {  	_ =	shalt  }
0x6b: {  	_ =	shalt  }
0x6c: {  	_ =	shalt  }
0x6d: {  	_ =	shalt  }
0x6e: {  	_ =	shalt  }
0x6f: {  	_ =	shalt  }
0x70: {  	_ =	shalt  }
0x71: {  	_ =	shalt  }
0x72: {  	_ =	shalt  }
0x73: {  	_ =	shalt  }
0x74: {  	_ =	shalt  }
0x75: {  	_ =	shalt  }
0x76: {  	_ =	shalt  }
0x77: {  	_ =	shalt  }
0x78: {  	_ =	shalt  }
0x79: {  	_ =	shalt  }
0x7a: {  	_ =	shalt  }
0x7b: {  	_ =	shalt  }
0x7c: {  	_ =	shalt  }
0x7d: {  	_ =	shalt  }
0x7e: {  	_ =	shalt  }
0x7f: {  	_ =	shalt  }
0x80: {  	_ =	shalt  }
0x81: {  	_ =	shalt  }
0x82: {  	_ =	shalt  }
0x83: {  	_ =	shalt  }
0x84: {  	_ =	shalt  }
0x85: {  	_ =	shalt  }
0x86: {  	_ =	shalt  }
0x87: {  	_ =	shalt  }
.Lfunc_end0:
.L_simem_size_0:
called_computation_lowered:
.L_overlay_start_0:
0x88: {  	s2 =	sld [smem:$0x3FD9]  }
0x89: {  	s3 =	sld [smem:$0x3FFE];
	_ =	sdelay $0x1  }
0x8a: {  	s1 =	srdreg.scid  }
0x8b: {  	s0 =	sand.u32 $0x1, s1  }
0x8c: {  	s17 =	sshll.u32 s0, $0xA;
	s2 =	sadd.s32 s3, s2  }
0x8d: {  	s2 =	sadd.s32 s2, s17  }
0x8e: {  	[smem:$0x3FC6] =	sst s2  }
0x8f: {  	_ = 	snop  }
0x90: {  	s2 =	sld [smem:$0x3FC9]  }
0x91: {  	s18 =	sld [smem:$0x3FC8];
	(tm) =	ssettm $0x1  }
0x92: {  	s4 =	sld [smem:$0x3FFB];
	_ =	sdelay $0x3  }
0x93: {  	_ =	strace s4  }
0x94: {  	s4 =	sld [smem:$0x3FFC];
	_ =	sdelay $0x3  }
0x95: {  	_ =	strace s4  }
0x96: {  	s4 =	sld [smem:$0x3FFD];
	_ =	sdelay $0x3  }
0x97: {  	_ =	strace s4  }
0x98: {  	_ =	strace $0x8FFFFFFF  }
0x99: {  	s19 =	sld [smem:$0x3FDB];
	_ =	sdelay $0x1  }
0x9a: {  	s5 =	simm.s32 $_scs_section_size  }
0x9b: {  	s6 =	simm.s32 $_size__tile_overlayer_lowered;
	s7 =	simm.s32 $_tile_overlayer_lowered  }
0x9c: {  	s22 =	simm.s32 $0x1BFF;
	s21 =	sshll.u32 s7, $0x1;
	s4 =	sadd.s32 s5, s19  }
0x9d: {  	s8 =	simm.s32 $0x0;
	s20 =	sshll.u32 s6, $0x1;
	s6 =	sadd.s32 s21, s4  }
0x9e: {  	[timem:s8], [sflag:s22] =	dma.local [hbm:s6], s20  }
0x9f: {  	_ =	swait.ge [sflag:s22], s20  }
0xa0: {  	s5 =	ssub.s32 $0x0, s20;
	[sflag:s22] =	ssyncset.done $0x0  }
0xa1: {  	[sflag:s22] =	ssyncadd.s32 s5;
	_ =	sdelay $0x1  }
0xa2: {  	s23 =	simm.s32 $0x1B8B  }
0xa3: {  	_ =	swait.ge [sflag:s23], $0x1  }
0xa4: {  	[sflag:s23] =	ssyncset.done $0x0  }
0xa5: {  	s25 =	simm.s32 $0x1B8E;
	s24 =	sld [smem:$0x3FFE];
	[sflag:s23] =	ssyncadd.s32 $0xFFFFFFFF  }
0xa6: {  	s26 =	simm.s32 $execute0_lowered;
	[smem:$0x3FD2] =	sst s25  }
0xa7: {  	s6 =	sshll.u32 s26, $0x1;
	_ =	strace $0x80000046;
	[dreg:$0x1] =	wrdreg $0xFFFFFFFF  }
0xa8: {  	s28 =	simm.s32 $_size_execute0_lowered;
	s4 =	sadd.s32 s4, s6;
	[dreg:$0x0] =	wrdreg $0x0  }
0xa9: {  	s6 =	sshll.u32 s28, $0x1;
	[dreg:$0x2] =	wrdreg s4  }
0xaa: {  	[dreg:$0x3] =	wrdreg s6  }
0xab: {  	[dreg:$0x4] =	wrdreg $0xC0  }
0xac: {  	_ =	task [dreg:s8], $0x5FFFF  }
0xad: {  	[dreg:$0x1] =	wrdreg $0xFFFFFFFF  }
0xae: {  	[dreg:$0x0] =	wrdreg $0x60  }
0xaf: {  	[dreg:$0x2] =	wrdreg s2  }
0xb0: {  	[dreg:$0x3] =	wrdreg s18  }
0xb1: {  	[dreg:$0x4] =	wrdreg s24  }
0xb2: {  	[dreg:$0x5] =	wrdreg $0xC2800  }
0xb3: {  	[dreg:$0x6] =	wrdreg $0x9  }
0xb4: {  	_ =	task.clear_ibuf [dreg:s8], $0x7FFFF;
	_ =	strace $0x90000046  }
0xb5: {  	s29 =	simm.s32 $0x9;
	_ =	strace $0x80000048  }
0xb6: {  	_ =	swait.ge [sflag:s29], $0x1  }
0xb7: {  	[sflag:s29] =	ssyncadd.s32 $0xFFFFFFFF  }
0xb8: {  	_ =	strace $0x90000048  }
0xb9: {  	_ =	sfence  }
0xba: {  	s30 =	sld [smem:$0x0];
	_ =	sdelay $0x2  }
0xbb: {  	s31 =	sshll.u32 s1, $0xD;
	s1 =	sshrl.u32 s1, $0x2  }
0xbc: {  	s3 =	sand.u32 $0x4000, s31;
	s1 =	sadd.s32 s1, s30  }
0xbd: {  	s0 =	sor.u32 s3, s0;
	s1 =	sshll.u32 s1, $0x11  }
0xbe: {  	s0 =	sor.u32 s1, s0  }
0xbf: {  	s0 =	sadd.s32 $0x8F2B, s0  }
0xc0: {  	[sflag:s0] =	ssyncadd.remote.s32 $0x1  }
0xc1: {  	_ =	sfence.sel $0xFFFF  }
0xc2: {  	[dreg:$0x0] =	wrdreg $0xFFFFFFFF;
	(pc) =	sbr.abs _section_cstart, $3  }
0xc3: {  	[dreg:$0x1] =	wrdreg $0xFFFFFFFF  }
0xc4: {  	_ =	task.clear_ibuf [dreg:s8], $0x2FFFF;
	_ =	strace $0x9FFFFFFF  }
0xc5: {  	(tm) =	ssettm $0x7FFFFFFF  }
tec
execute0_lowered:
.L_overlay_start_1:
0x0: {  	(tag) =	ssettag $0x1  }
0x1: {  	s1 =	rddreg [dreg:$0x0]  }
0x2: {  	s0 =	rddreg [dreg:$0x1]  }
0x3: {  	s2 =	srdreg.scid;
	s12 =	stileid.u32  }
0x4: {  	s5 =	rddreg [dreg:$0x2];
	s30 =	smul.u32 $0x4E000, s12  }
0x5: {  	s3 =	rddreg [dreg:$0x3];
	s4 =	simm.s32 $0x0;
	s17 =	smul.u32 $0x13800, s12  }
0x6: {  	s2 =	sand.u32 $0x1, s2;
	[smem:$0x7FF] =	sst s4;
	s21 =	smul.u32 $0x2710, s12  }
0x7: {  	s5 =	sadd.s32 $0x600, s5;
	s22 =	smul.u32 $0x27100, s12;
	p0 =	seq.s32 s12, $0xF  }
0x8: {  	p1 =	sne.s32 s12, $0xF;
	s6 =	sshll.u32 s2, $0x4;
	s15 =	smul.u32 $0x138800, s2  }
0x9: {  	_ =	strace $0x80000047;
	s8 =	ssub.s32 $0x2, s2;
	s20 =	smul.u32 $0x271000, s2  }
0xa: {  	s2 =	smul.u32 $0x27100, s2;
	s6 =	sor.u32 s12, s6;
	s10 =	sshrl.u32 s8, $0x1  }
0xb: {  	s14 =	sshrl.u32 s30, $0x2;
	s12 =	simm.s32 $0x60;
	s7 =	smul.u32 $0x2710, s6  }
0xc: {  	s6 =	smul.u32 $0x27100, s6;
	s8 =	ssub.s32 s8, s10;
	s2 =	sadd.s32 s21, s2  }
0xd: {  	s8 =	smax.u32 s8, $0x1;
	s23 =	sadd.s32 $0x240, s2;
	s9 =	sadd.s32 $0x2700, s7  }
0xe: {  	s25 =	sshrl.u32 s7, $0x3;
	s6 =	sadd.s32 s1, s6;
	s28 =	sadd.s32 $0x60, s7  }
0xf: {  	s7 =	sadd.s32 $0xC0, s7;
	[dreg:$0x12] =	wrdreg s8;
	s8 =	simm.s32 $0x4  }
0x10: {  	s11 =	sshrl.u32 s9, $0x3;
	[dreg:$0x6] =	wrdreg s6;
	s26 =	sadd.s32 s0, s25  }
0x11: {  	s29 =	sshll.u32 s28, $0x4;
	s6 =	sshrl.u32 s28, $0x3;
	s31 =	sshll.u32 s7, $0x4  }
0x12: {  	s7 =	sshrl.u32 s7, $0x3;
	s24 =	sadd.s32 s0, s11;
	[dreg:$0x7] =	wrdreg s26  }
0x13: {  	s9 =	sshll.u32 s9, $0x4;
	s10 =	sadd.s32 s1, s29;
	[dreg:$0x5] =	wrdreg s24  }
0x14: {  	s6 =	sadd.s32 s0, s6;
	s13 =	sadd.s32 s1, s31;
	[dreg:$0x8] =	wrdreg s10  }
0x15: {  	s11 =	sadd.s32 s14, s3;
	s7 =	sadd.s32 s0, s7;
	[dreg:$0x9] =	wrdreg s6  }
0x16: {  	s9 =	sadd.s32 s1, s9;
	s1 =	sadd.s32 s20, s1;
	[dreg:$0xa] =	wrdreg s13  }
0x17: {  	s31 =	sadd.s32 $0x138000, s3;
	s14 =	simm.s32 $0x0;
	[dreg:$0xb] =	wrdreg s7  }
0x18: {  	s16 =	sadd.s32 $0x3000, s11;
	s18 =	sadd.s32 $0x6000, s11;
	s19 =	sadd.s32 $0x9000, s11  }
0x19: {  	[dreg:$0xf] =	wrdreg s9;
	s7 =	sadd.s32 s17, s15;
	s6 =	sshrl.u32 s15, $0x3  }
0x1a: {  	s20 =	sadd.s32 s22, s1;
	s1 =	sshrl.u32 s23, $0x3;
	[dreg:$0x18] =	wrdreg s31  }
0x1b: {  	s24 =	sadd.s32 $0x120, s2;
	s23 =	sadd.s32 $0x180, s2;
	[dreg:$0xc] =	wrdreg s16  }
0x1c: {  	s28 =	sadd.s32 $0xC000, s11;
	s29 =	sadd.s32 $0xF000, s11;
	[dreg:$0xd] =	wrdreg s18  }
0x1d: {  	s30 =	sadd.s32 $0x12000, s11;
	s9 =	simm.s32 $0x1;
	[dreg:$0xe] =	wrdreg s19  }
0x1e: {  	s10 =	simm.s32 $0x180;
	s13 =	simm.s32 $0x2;
	[dreg:$0x15] =	wrdreg s28  }
0x1f: {  	s7 =	sshrl.u32 s7, $0x3;
	s19 =	sadd.s32 s1, s0;
	[dreg:$0x16] =	wrdreg s29  }
0x20: {  	s26 =	sshrl.u32 s24, $0x3;
	[dreg:$0x17] =	wrdreg s30;
	s18 =	simm.s32 $0x200  }
0x21: {  	s7 =	sadd.s32 s5, s7;
	s5 =	sadd.s32 s5, s6;
	s6 =	sadd.s32 $0x1E0, s2  }
0x22: {  	s24 =	sadd.s32 s26, s0;
	s2 =	simm.s32 $0x280;
	[dreg:$0x10] =	wrdreg s7  }
0x23: {  	s5 =	sadd.s32 $0x24900, s5;
	s6 =	sshrl.u32 s6, $0x3;
	s7 =	simm.s32 $0x9280  }
0x24: {  	[dreg:$0x11] =	wrdreg s5;
	s5 =	sadd.s32 $0x124800, s3;
	s25 =	sadd.s32 s6, s0  }
0x25: {  	s6 =	simm.s32 $0x100;
	[dreg:$0x13] =	wrdreg s25;
	s1 =	sshrl.u32 @p0 s5, $0x3  }
0x26: {  	v0 =	vimm.f32 $0.0e+00;
	s5 =	simm.s32 $0x6280;
	[dreg:$0x14] =	wrdreg s1;
	s1 =	simm.s32 $0x5  }
.LBB2_1:
0x27: {  	s15 =	rddreg [dreg:$0x5]  }
0x28: {  	[tilespmem:s18], [sflag:$0x5] =	stream.linear.gather [hbm4b:s15+s4], $0x10, $0x38;
	[tilespmem:$0x1FB00] =	vst v63  }
0x29: {  	_ =	swait.ge [sflag:s1], $0x10  }
0x2a: {  	[sflag:s1] =	ssyncset.done $0x0  }
0x2b: {  	s22 =	rddreg [dreg:$0x6];
	[sflag:s1] =	ssyncadd.s32 $0xFFFFFFF0  }
0x2c: {  	[tilespmem:s2], [sflag:$0x1] =	stream.linear.gather [hbm4b:s22+s4], $0x3000, $0x38;
	[tilespmem:$0x1FB00] =	vst v63  }
0x2d: {  	s25 =	rddreg [dreg:$0x7]  }
0x2e: {  	[tilespmem:s4], [sflag:$0x1] =	stream.linear.gather [hbm4b:s25+s4], $0x60, $0x38;
	[tilespmem:$0x1FB00] =	vst v63  }
0x2f: {  	s16 =	simm.s32 $0x3280;
	s26 =	rddreg [dreg:$0x8]  }
0x30: {  	[tilespmem:s16], [sflag:$0x2] =	stream.linear.gather [hbm4b:s26+s4], $0x3000, $0x38;
	[tilespmem:$0x1FB00] =	vst v63  }
0x31: {  	s29 =	simm.s32 $0x80;
	s28 =	rddreg [dreg:$0x9]  }
0x32: {  	[tilespmem:s29], [sflag:$0x2] =	stream.linear.gather [hbm4b:s28+s4], $0x60, $0x38;
	[tilespmem:$0x1FB00] =	vst v63  }
0x33: {  	s30 =	rddreg [dreg:$0xa]  }
0x34: {  	[tilespmem:s5], [sflag:$0x3] =	stream.linear.gather [hbm4b:s30+s4], $0x3000, $0x38;
	[tilespmem:$0x1FB00] =	vst v63  }
0x35: {  	s15 =	simm.s32 $0x0;
	s31 =	rddreg [dreg:$0xb];
	s16 =	simm.s32 $0x200  }
0x36: {  	[tilespmem:s6], [sflag:$0x3] =	stream.linear.gather [hbm4b:s31+s4], $0x60, $0x38;
	[tilespmem:$0x1FB00] =	vst v63  }
.LBB2_2:
0x37: {  	p2 =	sne.s32 s16, $0xBE00;
	[tilespmem:s15+$0x92F0] =	vst v0  }
0x38: {  	[tilespmem:s15+$0x9280] =	vst v0  }
0x39: {  	[tilespmem:s15+$0x9290] =	vst v0  }
.Ltmp0:
0x3a: {  	[tilespmem:s15+$0x92A0] =	vst v0;
	(pc) =	sbr.rel @p2 .LBB2_2-.Ltmp0, $4  }
0x3b: {  	[tilespmem:s15+$0x92B0] =	vst v0  }
0x3c: {  	[tilespmem:s15+$0x92C0] =	vst v0  }
0x3d: {  	[tilespmem:s15+$0x92D0] =	vst v0  }
0x3e: {  	[tilespmem:s15+$0x92E0] =	vst v0;
	s15 =	sshra.s32 s16, $0x2;
	s16 =	sadd.s32 $0x200, s16  }
0x3f: {  	[tilespmem:s15+$0x92F0] =	vst v0  }
0x40: {  	[tilespmem:s15+$0x9280] =	vst v0  }
0x41: {  	[tilespmem:s15+$0x9290] =	vst v0  }
0x42: {  	[tilespmem:s15+$0x92A0] =	vst v0  }
0x43: {  	[tilespmem:s15+$0x92B0] =	vst v0  }
0x44: {  	[tilespmem:s15+$0x92C0] =	vst v0  }
0x45: {  	[tilespmem:s15+$0x92D0] =	vst v0  }
0x46: {  	[tilespmem:s15+$0x92E0] =	vst v0  }
0x47: {  	[spmem:s11] =	stream.linear.scatter [tilespmem:s7], [sflag:$0x4], $0x3000, $0x38;
	[tilespmem:$0x1FB00] =	vst v63  }
0x48: {  	s22 =	rddreg [dreg:$0xc]  }
0x49: {  	[spmem:s22] =	stream.linear.scatter [tilespmem:s7], [sflag:$0x4], $0x3000, $0x38;
	[tilespmem:$0x1FB00] =	vst v63  }
0x4a: {  	s25 =	rddreg [dreg:$0xd]  }
0x4b: {  	[spmem:s25] =	stream.linear.scatter [tilespmem:s7], [sflag:$0x4], $0x3000, $0x38;
	[tilespmem:$0x1FB00] =	vst v63  }
0x4c: {  	s26 =	rddreg [dreg:$0xe]  }
0x4d: {  	[spmem:s26] =	stream.linear.scatter [tilespmem:s7], [sflag:$0x4], $0x3000, $0x38;
	[tilespmem:$0x1FB00] =	vst v63  }
0x4e: {  	s28 =	rddreg [dreg:$0x15]  }
0x4f: {  	[spmem:s28] =	stream.linear.scatter [tilespmem:s7], [sflag:$0x4], $0x3000, $0x38;
	[tilespmem:$0x1FB00] =	vst v63  }
0x50: {  	s29 =	rddreg [dreg:$0x16]  }
0x51: {  	[spmem:s29] =	stream.linear.scatter [tilespmem:s7], [sflag:$0x4], $0x3000, $0x38;
	[tilespmem:$0x1FB00] =	vst v63  }
0x52: {  	s30 =	rddreg [dreg:$0x17]  }
0x53: {  	[spmem:s30] =	stream.linear.scatter [tilespmem:s7], [sflag:$0x4], $0x1800, $0x38;
	[tilespmem:$0x1FB00] =	vst v63  }
0x54: {  	s15 =	simm.s32 @!p1 $0x9280;
	s16 =	rddreg [dreg:$0x18]  }
0x55: {  	[spmem:s16] =	stream.linear.scatter @!p1 [tilespmem:s15], [sflag:$0x5], $0x800, $0x38;
	[tilespmem:$0x1FB00] =	vst v63  }
0x56: {  	s15 =	simm.s32 @!p1 $0x5  }
0x57: {  	_ =	swait.ge @!p1 [sflag:s15], $0x800  }
0x58: {  	[sflag:s15] =	ssyncset.done @!p1 $0x0  }
0x59: {  	[sflag:s15] =	ssyncadd.s32 @!p1 $0xFFFFF800  }
0x5a: {  	_ =	swait.ge [sflag:s8], $0x3000  }
0x5b: {  	[sflag:s8] =	ssyncset.done $0x0  }
0x5c: {  	[sflag:s8] =	ssyncadd.s32 $0xFFFFD000  }
0x5d: {  	_ =	swait.ge [sflag:s8], $0x3000  }
0x5e: {  	[sflag:s8] =	ssyncset.done $0x0  }
0x5f: {  	[sflag:s8] =	ssyncadd.s32 $0xFFFFD000  }
0x60: {  	_ =	swait.ge [sflag:s8], $0x3000  }
0x61: {  	[sflag:s8] =	ssyncset.done $0x0  }
0x62: {  	[sflag:s8] =	ssyncadd.s32 $0xFFFFD000  }
0x63: {  	_ =	swait.ge [sflag:s8], $0x3000  }
0x64: {  	[sflag:s8] =	ssyncset.done $0x0  }
0x65: {  	[sflag:s8] =	ssyncadd.s32 $0xFFFFD000  }
0x66: {  	_ =	swait.ge [sflag:s8], $0x3000  }
0x67: {  	[sflag:s8] =	ssyncset.done $0x0  }
0x68: {  	[sflag:s8] =	ssyncadd.s32 $0xFFFFD000  }
0x69: {  	_ =	swait.ge [sflag:s8], $0x3000  }
0x6a: {  	[sflag:s8] =	ssyncset.done $0x0  }
0x6b: {  	[sflag:s8] =	ssyncadd.s32 $0xFFFFD000  }
0x6c: {  	_ =	swait.ge [sflag:s8], $0x1800  }
0x6d: {  	[sflag:s8] =	ssyncset.done $0x0  }
0x6e: {  	[sflag:s8] =	ssyncadd.s32 $0xFFFFE800  }
0x6f: {  	[bflag:$0x0] =	sbarrier.arrive $0xFFFF  }
0x70: {  	_ =	swait.ge [sflag:s9], $0x3000  }
0x71: {  	[sflag:s9] =	ssyncset.done $0x0  }
0x72: {  	[sflag:s9] =	ssyncadd.s32 $0xFFFFD000  }
0x73: {  	_ =	swait.ge [sflag:s9], $0x60  }
0x74: {  	s31 =	sadd.s32 $0x0, s20;
	[sflag:s9] =	ssyncset.done $0x0  }
0x75: {  	s15 =	sadd.s32 $0x1200, s31;
	[sflag:s9] =	ssyncadd.s32 $0xFFFFFFA0  }
0x76: {  	[tilespmem:s7], [sflag:$0x4] =	stream.linear.gather [hbm4b:s15+s4], $0x3000, $0x38;
	[tilespmem:$0x1FB00] =	vst v63  }
0x77: {  	_ = 	snop  }
0x78: {  	[tilespmem:s10], [sflag:$0x4] =	stream.linear.gather [hbm4b:s24+s4], $0x60, $0x38;
	[tilespmem:$0x1FB00] =	vst v63  }
0x79: {  	_ = 	snop  }
0x7a: {  	[spmem:s3] =	stream.indirect.scatter.add.f32 [tilespmem:s2], [sflag:$0x5], $0x80, s4, s12, $0xb8;
	[tilespmem:$0x1FB00] =	vst v63  }
0x7b: {  	_ =	swait.ge [sflag:s1], $0x3000  }
0x7c: {  	[sflag:s1] =	ssyncset.done $0x0  }
0x7d: {  	[sflag:s1] =	ssyncadd.s32 $0xFFFFD000  }
0x7e: {  	_ =	swait.ge [sflag:s13], $0x3000  }
0x7f: {  	[sflag:s13] =	ssyncset.done $0x0  }
0x80: {  	[sflag:s13] =	ssyncadd.s32 $0xFFFFD000  }
0x81: {  	p2 =	por $0x0, $0x0;
	_ =	swait.ge [sflag:s13], $0x60  }
0x82: {  	s17 =	simm.s32 @p2 $0x3280;
	s18 =	simm.s32 @p2 $0x5;
	[sflag:s13] =	ssyncset.done $0x0  }
0x83: {  	s16 =	simm.s32 @p2 $0x80;
	s15 =	simm.s32 @p2 $0x60;
	[sflag:s13] =	ssyncadd.s32 $0xFFFFFFA0  }
0x84: {  	[spmem:s3] =	stream.indirect.scatter.add.f32 @p2 [tilespmem:s17], [sflag:$0x5], $0x80, s16, s15, $0xb8;
	[tilespmem:$0x1FB00] =	vst v63  }
0x85: {  	_ =	swait.ge @p2 [sflag:s18], $0x3000  }
0x86: {  	[sflag:s18] =	ssyncset.done @p2 $0x0  }
0x87: {  	s15 =	simm.s32 @p2 $0x3;
	[sflag:s18] =	ssyncadd.s32 @p2 $0xFFFFD000  }
0x88: {  	_ =	swait.ge @p2 [sflag:s15], $0x3000  }
0x89: {  	[sflag:s15] =	ssyncset.done @p2 $0x0  }
0x8a: {  	[sflag:s15] =	ssyncadd.s32 @p2 $0xFFFFD000  }
0x8b: {  	s16 =	sadd.s32 @!p2 $0x0, s20;
	_ =	swait.ge @p2 [sflag:s15], $0x60  }
0x8c: {  	s21 =	simm.s32 @!p2 $0x0;
	s17 =	sadd.s32 @!p2 $0x1800, s16;
	[sflag:s15] =	ssyncset.done @p2 $0x0  }
0x8d: {  	s18 =	sshrl.u32 @!p2 s23, $0x3;
	[sflag:s15] =	ssyncadd.s32 @p2 $0xFFFFFFA0;
	s15 =	simm.s32 @!p2 $0x280  }
0x8e: {  	[tilespmem:s15], [sflag:$0x1] =	stream.linear.gather @!p2 [hbm4b:s17+s21], $0x3000, $0x38;
	[tilespmem:$0x1FB00] =	vst v63  }
0x8f: {  	s15 =	sadd.s32 @!p2 s0, s18  }
0x90: {  	[tilespmem:s21], [sflag:$0x1] =	stream.linear.gather @!p2 [hbm4b:s15+s21], $0x60, $0x38;
	[tilespmem:$0x1FB00] =	vst v63  }
0x91: {  	s17 =	simm.s32 @!p2 $0x80;
	s18 =	simm.s32 @!p2 $0x3280;
	s15 =	simm.s32 @!p2 $0x60  }
0x92: {  	[spmem:s3] =	stream.indirect.scatter.add.f32 @!p2 [tilespmem:s18], [sflag:$0x5], $0x80, s17, s15, $0xb8;
	[tilespmem:$0x1FB00] =	vst v63  }
0x93: {  	s15 =	simm.s32 @!p2 $0x5  }
0x94: {  	_ =	swait.ge @!p2 [sflag:s15], $0x3000  }
0x95: {  	[sflag:s15] =	ssyncset.done @!p2 $0x0  }
0x96: {  	[sflag:s15] =	ssyncadd.s32 @!p2 $0xFFFFD000;
	s15 =	simm.s32 @!p2 $0x3  }
0x97: {  	_ =	swait.ge @!p2 [sflag:s15], $0x3000  }
0x98: {  	[sflag:s15] =	ssyncset.done @!p2 $0x0  }
0x99: {  	[sflag:s15] =	ssyncadd.s32 @!p2 $0xFFFFD000  }
0x9a: {  	_ =	swait.ge @!p2 [sflag:s15], $0x60  }
0x9b: {  	[sflag:s15] =	ssyncset.done @!p2 $0x0  }
0x9c: {  	[sflag:s15] =	ssyncadd.s32 @!p2 $0xFFFFFFA0;
	s15 =	sadd.s32 @!p2 $0x1E00, s16  }
0x9d: {  	[tilespmem:s18], [sflag:$0x2] =	stream.linear.gather @!p2 [hbm4b:s15+s21], $0x3000, $0x38;
	[tilespmem:$0x1FB00] =	vst v63  }
0x9e: {  	s18 =	rddreg [dreg:$0x13]  }
0x9f: {  	[tilespmem:s17], [sflag:$0x2] =	stream.linear.gather @!p2 [hbm4b:s18+s21], $0x60, $0x38;
	[tilespmem:$0x1FB00] =	vst v63  }
0xa0: {  	_ = 	snop  }
0xa1: {  	[spmem:s3] =	stream.indirect.scatter.add.f32 [tilespmem:s5], [sflag:$0x5], $0x80, s6, s12, $0xb8;
	[tilespmem:$0x1FB00] =	vst v63  }
0xa2: {  	_ =	swait.ge [sflag:s1], $0x3000  }
0xa3: {  	[sflag:s1] =	ssyncset.done $0x0  }
0xa4: {  	[sflag:s1] =	ssyncadd.s32 $0xFFFFD000  }
0xa5: {  	_ =	swait.ge [sflag:s8], $0x3000  }
0xa6: {  	[sflag:s8] =	ssyncset.done $0x0  }
0xa7: {  	[sflag:s8] =	ssyncadd.s32 $0xFFFFD000  }
0xa8: {  	_ =	swait.ge [sflag:s8], $0x60  }
0xa9: {  	[sflag:s8] =	ssyncset.done $0x0  }
0xaa: {  	s15 =	sadd.s32 @!p2 $0x2400, s16;
	s16 =	simm.s32 @!p2 $0x6280;
	[sflag:s8] =	ssyncadd.s32 $0xFFFFFFA0  }
0xab: {  	[tilespmem:s16], [sflag:$0x3] =	stream.linear.gather @!p2 [hbm4b:s15+s21], $0x3000, $0x38;
	[tilespmem:$0x1FB00] =	vst v63  }
0xac: {  	s15 =	simm.s32 @!p2 $0x100  }
0xad: {  	[tilespmem:s15], [sflag:$0x3] =	stream.linear.gather @!p2 [hbm4b:s19+s21], $0x60, $0x38;
	[tilespmem:$0x1FB00] =	vst v63  }
0xae: {  	s17 =	sadd.s32 $0x30, s18;
	s18 =	sadd.s32 $0x180, s23;
	s16 =	sadd.s32 $0x30, s24  }
0xaf: {  	[spmem:s3] =	stream.indirect.scatter.add.f32 [tilespmem:s7], [sflag:$0x5], $0x80, s10, s12, $0xb8;
	[tilespmem:$0x1FB00] =	vst v63  }
0xb0: {  	s15 =	simm.s32 $0x1800;
	s21 =	smov.u32 s19;
	_ =	swait.ge [sflag:s1], $0x3000  }
.LBB2_4:
0xb1: {  	[sflag:s1] =	ssyncset.done $0x0  }
0xb2: {  	s21 =	sadd.s32 $0x30, s21;
	s25 =	smov.u32 s15;
	s15 =	sadd.s32 $0x1800, s15  }
0xb3: {  	p2 =	sne.s32 s15, $0x27000;
	[sflag:s1] =	ssyncadd.s32 $0xFFFFD000  }
0xb4: {  	_ =	swait.ge [sflag:s9], $0x3000  }
0xb5: {  	[sflag:s9] =	ssyncset.done $0x0  }
0xb6: {  	[sflag:s9] =	ssyncadd.s32 $0xFFFFD000  }
0xb7: {  	_ =	swait.ge [sflag:s9], $0x60  }
0xb8: {  	s31 =	sadd.s32 s25, s20;
	[sflag:s9] =	ssyncset.done $0x0  }
0xb9: {  	s31 =	sadd.s32 $0x1200, s31;
	[sflag:s9] =	ssyncadd.s32 $0xFFFFFFA0  }
0xba: {  	[tilespmem:s7], [sflag:$0x4] =	stream.linear.gather [hbm4b:s31+s4], $0x3000, $0x38;
	[tilespmem:$0x1FB00] =	vst v63  }
0xbb: {  	_ = 	snop  }
0xbc: {  	[tilespmem:s10], [sflag:$0x4] =	stream.linear.gather [hbm4b:s16+s4], $0x60, $0x38;
	[tilespmem:$0x1FB00] =	vst v63  }
0xbd: {  	_ = 	snop  }
0xbe: {  	[spmem:s3] =	stream.indirect.scatter.add.f32 [tilespmem:s2], [sflag:$0x5], $0x80, s4, s12, $0xb8;
	[tilespmem:$0x1FB00] =	vst v63  }
0xbf: {  	_ =	swait.ge [sflag:s1], $0x3000  }
0xc0: {  	[sflag:s1] =	ssyncset.done $0x0  }
0xc1: {  	[sflag:s1] =	ssyncadd.s32 $0xFFFFD000  }
0xc2: {  	_ =	swait.ge [sflag:s13], $0x3000  }
0xc3: {  	[sflag:s13] =	ssyncset.done $0x0  }
0xc4: {  	[sflag:s13] =	ssyncadd.s32 $0xFFFFD000  }
0xc5: {  	_ =	swait.ge [sflag:s13], $0x60  }
0xc6: {  	p3 =	seq.s32 s25, $0x25800;
	[sflag:s13] =	ssyncset.done $0x0  }
0xc7: {  	s26 =	simm.s32 @p3 $0x80;
	s31 =	simm.s32 @p3 $0x60;
	[sflag:s13] =	ssyncadd.s32 $0xFFFFFFA0  }
0xc8: {  	s28 =	simm.s32 @p3 $0x3280;
	s29 =	simm.s32 @p3 $0x5;
	s25 =	sadd.s32 @!p3 s25, s20  }
0xc9: {  	[spmem:s3] =	stream.indirect.scatter.add.f32 @p3 [tilespmem:s28], [sflag:$0x5], $0x80, s26, s31, $0xb8;
	[tilespmem:$0x1FB00] =	vst v63  }
0xca: {  	s26 =	sadd.s32 @!p3 $0x1800, s25;
	s28 =	sshrl.u32 @!p3 s18, $0x3;
	_ =	swait.ge @p3 [sflag:s29], $0x3000  }
0xcb: {  	s30 =	simm.s32 @p3 $0x3;
	s28 =	sadd.s32 @!p3 s0, s28;
	[sflag:s29] =	ssyncset.done @p3 $0x0  }
0xcc: {  	s31 =	sadd.s32 @!p3 $0x2400, s25;
	[sflag:s29] =	ssyncadd.s32 @p3 $0xFFFFD000;
	s29 =	sadd.s32 @!p3 $0x1E00, s25  }
0xcd: {  	_ =	swait.ge @p3 [sflag:s30], $0x3000  }
0xce: {  	[sflag:s30] =	ssyncset.done @p3 $0x0  }
0xcf: {  	[sflag:s30] =	ssyncadd.s32 @p3 $0xFFFFD000  }
0xd0: {  	_ =	swait.ge @p3 [sflag:s30], $0x60  }
0xd1: {  	s22 =	simm.s32 @!p3 $0x280;
	s25 =	simm.s32 @!p3 $0x0;
	[sflag:s30] =	ssyncset.done @p3 $0x0  }
0xd2: {  	[sflag:s30] =	ssyncadd.s32 @p3 $0xFFFFFFA0  }
0xd3: {  	[tilespmem:s22], [sflag:$0x1] =	stream.linear.gather @!p3 [hbm4b:s26+s25], $0x3000, $0x38;
	[tilespmem:$0x1FB00] =	vst v63  }
0xd4: {  	s30 =	simm.s32 @!p3 $0x3280;
	s22 =	simm.s32 @!p3 $0x60;
	s26 =	simm.s32 @!p3 $0x80  }
0xd5: {  	[tilespmem:s25], [sflag:$0x1] =	stream.linear.gather @!p3 [hbm4b:s28+s25], $0x60, $0x38;
	[tilespmem:$0x1FB00] =	vst v63  }
0xd6: {  	s28 =	simm.s32 @!p3 $0x5  }
0xd7: {  	[spmem:s3] =	stream.indirect.scatter.add.f32 @!p3 [tilespmem:s30], [sflag:$0x5], $0x80, s26, s22, $0xb8;
	[tilespmem:$0x1FB00] =	vst v63  }
0xd8: {  	_ =	swait.ge @!p3 [sflag:s28], $0x3000  }
0xd9: {  	s22 =	simm.s32 @!p3 $0x3;
	[sflag:s28] =	ssyncset.done @!p3 $0x0  }
0xda: {  	[sflag:s28] =	ssyncadd.s32 @!p3 $0xFFFFD000  }
0xdb: {  	_ =	swait.ge @!p3 [sflag:s22], $0x3000  }
0xdc: {  	[sflag:s22] =	ssyncset.done @!p3 $0x0  }
0xdd: {  	[sflag:s22] =	ssyncadd.s32 @!p3 $0xFFFFD000  }
0xde: {  	_ =	swait.ge @!p3 [sflag:s22], $0x60  }
0xdf: {  	[sflag:s22] =	ssyncset.done @!p3 $0x0  }
0xe0: {  	[sflag:s22] =	ssyncadd.s32 @!p3 $0xFFFFFFA0  }
0xe1: {  	[tilespmem:s30], [sflag:$0x2] =	stream.linear.gather @!p3 [hbm4b:s29+s25], $0x3000, $0x38;
	[tilespmem:$0x1FB00] =	vst v63  }
0xe2: {  	_ = 	snop  }
0xe3: {  	[tilespmem:s26], [sflag:$0x2] =	stream.linear.gather @!p3 [hbm4b:s17+s25], $0x60, $0x38;
	[tilespmem:$0x1FB00] =	vst v63  }
0xe4: {  	_ = 	snop  }
0xe5: {  	[spmem:s3] =	stream.indirect.scatter.add.f32 [tilespmem:s5], [sflag:$0x5], $0x80, s6, s12, $0xb8;
	[tilespmem:$0x1FB00] =	vst v63  }
0xe6: {  	_ =	swait.ge [sflag:s1], $0x3000  }
0xe7: {  	[sflag:s1] =	ssyncset.done $0x0  }
0xe8: {  	[sflag:s1] =	ssyncadd.s32 $0xFFFFD000  }
0xe9: {  	_ =	swait.ge [sflag:s8], $0x3000  }
0xea: {  	[sflag:s8] =	ssyncset.done $0x0  }
0xeb: {  	[sflag:s8] =	ssyncadd.s32 $0xFFFFD000  }
0xec: {  	_ =	swait.ge [sflag:s8], $0x60  }
0xed: {  	s22 =	simm.s32 @!p3 $0x6280;
	[sflag:s8] =	ssyncset.done $0x0  }
0xee: {  	s26 =	simm.s32 @!p3 $0x100;
	[sflag:s8] =	ssyncadd.s32 $0xFFFFFFA0  }
0xef: {  	[tilespmem:s22], [sflag:$0x3] =	stream.linear.gather @!p3 [hbm4b:s31+s25], $0x3000, $0x38;
	[tilespmem:$0x1FB00] =	vst v63  }
.Ltmp1:
0xf0: {  	(pc) =	sbr.rel @p2 .LBB2_4-.Ltmp1, $4  }
0xf1: {  	[tilespmem:s26], [sflag:$0x3] =	stream.linear.gather @!p3 [hbm4b:s21+s25], $0x60, $0x38;
	[tilespmem:$0x1FB00] =	vst v63  }
0xf2: {  	s16 =	sadd.s32 $0x30, s16  }
0xf3: {  	[spmem:s3] =	stream.indirect.scatter.add.f32 [tilespmem:s7], [sflag:$0x5], $0x80, s10, s12, $0xb8;
	[tilespmem:$0x1FB00] =	vst v63  }
0xf4: {  	s18 =	sadd.s32 $0x180, s18;
	s17 =	sadd.s32 $0x30, s17;
	_ =	swait.ge [sflag:s1], $0x3000  }
0xf5: {  	[sflag:s1] =	ssyncset.done $0x0  }
0xf6: {  	s15 =	rddreg [dreg:$0xf];
	[sflag:s1] =	ssyncadd.s32 $0xFFFFD000  }
0xf7: {  	[tilespmem:s2], [sflag:$0x5] =	stream.linear.gather [hbm4b:s15+s4], $0x800, $0x38;
	[tilespmem:$0x1FB00] =	vst v63  }
0xf8: {  	_ =	swait.ge [sflag:s1], $0x800  }
0xf9: {  	[sflag:s1] =	ssyncset.done $0x0  }
0xfa: {  	s18 =	simm.s32 $0x200;
	s30 =	simm.s32 $0x10;
	[sflag:s1] =	ssyncadd.s32 $0xFFFFF800  }
0xfb: {  	[spmem:s3] =	stream.indirect.scatter.add.f32 [tilespmem:s2], [sflag:$0x5], $0x80, s18, s30, $0xb8;
	[tilespmem:$0x1FB00] =	vst v63  }
0xfc: {  	_ =	swait.ge [sflag:s1], $0x800  }
0xfd: {  	[sflag:s1] =	ssyncset.done $0x0  }
0xfe: {  	[sflag:s1] =	ssyncadd.s32 $0xFFFFF800  }
0xff: {  	[bflag:$0x0] =	sbarrier.arrive $0xFFFF  }
0x100: {  	s16 =	rddreg [dreg:$0x11]  }
0x101: {  	s15 =	simm.s32 @p0 $0x1FC5;
	s17 =	rddreg [dreg:$0x14]  }
0x102: {  	[hbm:s16], [sflag:s15] =	dma.local @p0 [spmem:s17], $0x2800  }
0x103: {  	s15 =	simm.s32 @p0 $0x5  }
0x104: {  	s16 =	stileid.u32;
	_ =	swait.ge @p0 [sflag:s15], $0x2800  }
0x105: {  	s16 =	sshll.u32 @!p0 s16, $0x6;
	[sflag:s15] =	ssyncset.done @p0 $0x0;
	s17 =	rddreg [dreg:$0x10]  }
0x106: {  	[sflag:s15] =	ssyncadd.s32 @p0 $0xFFFFD800;
	s15 =	sor.u32 @!p0 $0x1C05, s16;
	s16 =	sshrl.u32 @!p0 s11, $0x3  }
0x107: {  	[hbm:s17], [sflag:s15] =	dma.local @!p0 [spmem:s16], $0x2700  }
0x108: {  	s15 =	simm.s32 @!p0 $0x5  }
0x109: {  	_ =	swait.ge @!p0 [sflag:s15], $0x2700  }
0x10a: {  	s14 =	sadd.s32 $0x1, s14;
	s31 =	rddreg [dreg:$0x12]  }
0x10b: {  	p2 =	sne.s32 s14, s31  }
.Ltmp2:
0x10c: {  	_ = 	snop;
	(pc) =	sbr.rel @p2 .LBB2_1-.Ltmp2, $3  }
0x10d: {  	_ =	sdelay $0x1  }
0x10e: {  	[sflag:s15] =	ssyncset.done @!p0 $0x0  }
0x10f: {  	[sflag:s15] =	ssyncadd.s32 @!p0 $0xFFFFD900  }
0x110: {  	_ =	sfence.sel $0x180000  }
0x111: {  	[bflag:$0x0] =	sbarrier.arrive $0xFFFF  }
0x112: {  	_ =	strace $0x90000047  }
0x113: {  	s0 =	stileid.u32;
	[bflag:$0x2] =	sbarrier.arrive $0xFFFF  }
0x114: {  	p0 =	sne.s32 s0, $0x0;
	s0 =	rddreg [dreg:$0x4]  }
0x115: {  	s0 =	sadd.s32 @!p0 $0x100000, s0  }
0x116: {  	[sflag:s0] =	ssyncadd.tile.s32 @!p0 $0x1;
	_ =	shalt  }
.Lfunc_end2:
_tile_overlayer_lowered:
.L_overlay_start_2:
0x117: {  	(tag) =	ssettag $0x2  }
0x118: {  	s0 =	rddreg [dreg:$0x0];
	s2 =	stileid.u32  }
0x119: {  	s1 =	rddreg [dreg:$0x1];
	p0 =	sne.s32 s2, $0x0  }
0x11a: {  	s3 =	rddreg [dreg:$0x2];
	[bflag:$0x3] =	sbarrier.arrive $0xFFFF;
	s2 =	simm.s32 @!p0 $0x1C05  }
0x11b: {  	[timem:s3], [sflag:s2] =	dma.local @!p0 [hbm:s0], s1  }
0x11c: {  	s0 =	simm.s32 @!p0 $0x5  }
0x11d: {  	_ =	swait.ge @!p0 [sflag:s0], s1  }
0x11e: {  	s1 =	ssub.s32 @!p0 $0x0, s1;
	[sflag:s0] =	ssyncset.done @!p0 $0x0  }
0x11f: {  	[sflag:s0] =	ssyncadd.s32 @!p0 s1  }
0x120: {  	[bflag:$0x3] =	sbarrier.arrive $0xFFFF  }
0x121: {  	_ =	shalt  }

</sc_bundles>
